<compile_context>
chip_gen: v7x
topology: tpu7x:2x2x1
jax: 0.10.2.dev20260603
libtpu: 0.0.44.dev20260713+nightly
codegen_flags: <defaults>
</compile_context>

<pallas_src>
import functools
import math

import jax
import jax.numpy as jnp
from jax.experimental import pallas as pl
from jax.experimental.pallas import tpu as pltpu
from jax.experimental.pallas import tpu_sc as plsc

B = 128
S = 32
D_IN = 512
HIDDEN = 512
D_K = 512
D_V = 512
NUM_K = 16
ACTIVE = 8

BB = 32
GA = 16
F32 = jnp.float32

SUBCORES = 32
SPB = B // SUBCORES


def _attn_kernel(x_ref, h_ref, wq_ref, wk_ref, px_ref, null_ref):
    rows = BB * NUM_K
    x = x_ref[...].reshape(BB * S, D_IN)
    h = h_ref[...].reshape(rows, HIDDEN)

    k = jnp.dot(x, wk_ref[...], preferred_element_type=F32)
    q = jnp.dot(h, wq_ref[...], preferred_element_type=F32)

    grows = GA * NUM_K
    gcols = GA * S
    inv = 1.0 / math.sqrt(D_K)
    row_b = jax.lax.broadcasted_iota(jnp.int32, (grows, gcols), 0) // NUM_K
    col_b = jax.lax.broadcasted_iota(jnp.int32, (grows, gcols), 1) // S
    valid = row_b == col_b
    for gi in range(BB // GA):
        qg = q[gi * grows:(gi + 1) * grows, :]
        kg = k[gi * gcols:(gi + 1) * gcols, :]
        sim = jnp.dot(qg, kg.T, preferred_element_type=F32) * inv
        sim = jnp.where(valid, sim, -1e30)
        m = jnp.maximum(jnp.max(sim, axis=1, keepdims=True), 0.0)
        e = jnp.exp(sim - m)
        e_null = jnp.exp(-m)
        denom = jnp.sum(e, axis=1, keepdims=True) + e_null
        p = e / denom
        xg = x[gi * gcols:(gi + 1) * gcols, :]
        px_ref[gi * grows:(gi + 1) * grows, :] = jnp.dot(
            p, xg, preferred_element_type=F32)
        null_ref[gi * GA:(gi + 1) * GA, :] = (
            e_null / denom).reshape(GA, NUM_K)


def _sc_select(null_ref, cid_ref, a_vmem, c_vmem, sem_in, sem_out):
    ci = jax.lax.axis_index("c")
    si = jax.lax.axis_index("s")
    sub = ci * 16 + si

    n = SPB * NUM_K
    cp_in = pltpu.make_async_copy(
        null_ref.at[pl.ds(sub * n, n)], a_vmem, sem_in)
    cp_in.start()
    cp_in.wait()

    kio = jax.lax.iota(jnp.int32, 16)
    for s in range(SPB):
        a = a_vmem[pl.ds(s * NUM_K, NUM_K)]
        rank = jnp.zeros((16,), jnp.int32)
        for j in range(16):
            aj = jnp.broadcast_to(a[j], (16,))
            cmp = (aj < a) | ((aj == a) & (j < kio))
            rank = rank + jnp.where(cmp, 1, 0)
        b = sub * SPB + s
        cid = jnp.where(rank < ACTIVE, b * ACTIVE + rank, -1)
        c_vmem[pl.ds(s * NUM_K, NUM_K)] = cid.astype(F32)

    cp_out = pltpu.make_async_copy(
        c_vmem, cid_ref.at[pl.ds(sub * n, n)], sem_out)
    cp_out.start()
    cp_out.wait()


def _gru_kernel(px_ref, h_ref, cid_ref, wv_ref, wx_ref, wh_ref,
                bx_ref, bh_ref, out_ref, wx_vmem, wh_vmem, sem_x, sem_h):
    rows = BB * NUM_K
    half = rows // 2

    cp_x = pltpu.make_async_copy(wx_ref, wx_vmem, sem_x)
    cp_h = pltpu.make_async_copy(wh_ref, wh_vmem, sem_h)

    @pl.when(pl.program_id(0) == 0)
    def _start():
        cp_x.start()
        cp_h.start()

    h = h_ref[...].reshape(rows, HIDDEN)
    px = px_ref[...]
    step = pl.program_id(0)
    cidm = cid_ref[...] - (step * half).astype(F32)
    cidm = jnp.where(cidm >= 0.0, cidm, -1.0)

    g_row = jax.lax.broadcasted_iota(jnp.int32, (rows, BB), 0)
    g_col = jax.lax.broadcasted_iota(jnp.int32, (rows, BB), 1)
    g = (g_row // NUM_K == g_col).astype(F32)
    r_row = jax.lax.broadcasted_iota(jnp.int32, (rows, NUM_K), 0)
    r_col = jax.lax.broadcasted_iota(jnp.int32, (rows, NUM_K), 1)
    oh = (r_row % NUM_K == r_col).astype(F32)
    y = jnp.dot(g, cidm, preferred_element_type=F32)
    cid_rows = jnp.sum(y * oh, axis=1, keepdims=True)
    col_i = jax.lax.broadcasted_iota(
        jnp.int32, (rows, half), 1).astype(F32)
    ct = (cid_rows == col_i).astype(F32)

    px_c = jax.lax.dot_general(ct, px, (((0,), (0,)), ((), ())),
                               preferred_element_type=F32)
    h_c = jax.lax.dot_general(ct, h, (((0,), (0,)), ((), ())),
                              preferred_element_type=F32)
    attended_c = jnp.dot(px_c, wv_ref[...], preferred_element_type=F32)

    @pl.when(pl.program_id(0) == 0)
    def _wait():
        cp_x.wait()
        cp_h.wait()

    gates_x = jnp.dot(attended_c, wx_vmem[...],
                      preferred_element_type=F32) + bx_ref[...]
    gates_h = jnp.dot(h_c, wh_vmem[...],
                      preferred_element_type=F32) + bh_ref[...]
    xr = gates_x[:, :HIDDEN]
    xz = gates_x[:, HIDDEN:2 * HIDDEN]
    xn = gates_x[:, 2 * HIDDEN:]
    hr = gates_h[:, :HIDDEN]
    hz = gates_h[:, HIDDEN:2 * HIDDEN]
    hn = gates_h[:, 2 * HIDDEN:]
    r = jax.nn.sigmoid(xr + hr)
    z = jax.nn.sigmoid(xz + hz)
    n = jnp.tanh(xn + r * hn)
    delta = (1.0 - z) * (n - h_c)
    out = h + jnp.dot(ct, delta, preferred_element_type=F32)
    out_ref[...] = out.reshape(BB, NUM_K, HIDDEN)


@functools.partial(jax.jit, static_argnames=("interpret",))
def _run(input, init_hidden, W_q, W_k, W_v, W_x, W_h, b_x, b_h,
         interpret=False):
    grid = (B // BB,)
    px, null = pl.pallas_call(
        _attn_kernel,
        grid=grid,
        in_specs=[
            pl.BlockSpec((BB, S, D_IN), lambda i: (i, 0, 0)),
            pl.BlockSpec((BB, NUM_K, HIDDEN), lambda i: (i, 0, 0)),
            pl.BlockSpec((HIDDEN, D_K), lambda i: (0, 0)),
            pl.BlockSpec((D_IN, D_K), lambda i: (0, 0)),
        ],
        out_specs=[
            pl.BlockSpec((BB * NUM_K, D_IN), lambda i: (i, 0)),
            pl.BlockSpec((BB, NUM_K), lambda i: (i, 0)),
        ],
        out_shape=[
            jax.ShapeDtypeStruct((B * NUM_K, D_IN), F32),
            jax.ShapeDtypeStruct((B, NUM_K), F32),
        ],
        interpret=interpret,
    )(input, init_hidden, W_q, W_k)

    cid = pl.kernel(
        _sc_select,
        out_type=jax.ShapeDtypeStruct((B * NUM_K,), F32),
        mesh=plsc.VectorSubcoreMesh(core_axis_name="c",
                                    subcore_axis_name="s",
                                    num_cores=2, num_subcores=16),
        scratch_types=[
            pltpu.VMEM((SPB * NUM_K,), F32),
            pltpu.VMEM((SPB * NUM_K,), F32),
            pltpu.SemaphoreType.DMA,
            pltpu.SemaphoreType.DMA,
        ],
        interpret=interpret,
    )(null.reshape(B * NUM_K))
    cid = cid.reshape(B, NUM_K)

    out = pl.pallas_call(
        _gru_kernel,
        grid=grid,
        in_specs=[
            pl.BlockSpec((BB * NUM_K, D_IN), lambda i: (i, 0)),
            pl.BlockSpec((BB, NUM_K, HIDDEN), lambda i: (i, 0, 0)),
            pl.BlockSpec((BB, NUM_K), lambda i: (i, 0)),
            pl.BlockSpec((D_IN, D_V), lambda i: (0, 0)),
            pl.BlockSpec(memory_space=pl.ANY),
            pl.BlockSpec(memory_space=pl.ANY),
            pl.BlockSpec((1, 3 * HIDDEN), lambda i: (0, 0)),
            pl.BlockSpec((1, 3 * HIDDEN), lambda i: (0, 0)),
        ],
        out_specs=pl.BlockSpec((BB, NUM_K, HIDDEN), lambda i: (i, 0, 0)),
        out_shape=jax.ShapeDtypeStruct((B, NUM_K, HIDDEN), F32),
        scratch_shapes=[
            pltpu.VMEM((D_V, 3 * HIDDEN), F32),
            pltpu.VMEM((HIDDEN, 3 * HIDDEN), F32),
            pltpu.SemaphoreType.DMA,
            pltpu.SemaphoreType.DMA,
        ],
        interpret=interpret,
    )(px, init_hidden, cid, W_v, W_x, W_h,
      b_x.reshape(1, 3 * HIDDEN), b_h.reshape(1, 3 * HIDDEN))
    return out


def kernel(input, init_hidden, W_q, W_k, W_v, W_x, W_h, b_x, b_h):
    return _run(input, init_hidden, W_q, W_k, W_v, W_x, W_h, b_x, b_h)

# --- scband reference (transcript-rebuilt; emitter-appended) ---
"""Pipeline reference for scband-rimmodule-50543175139713 (READ-ONLY COPY).

The authoritative reference and input builder live on the scoring server;
editing this copy changes nothing except your own understanding.
"""

import jax, jax.numpy as jnp
import numpy as np

B = 128
S = 32
D_IN = 512
HIDDEN = 512
D_K = 512
D_V = 512
NUM_K = 16
ACTIVE = 8


def setup_inputs(seed: int = 0) -> dict:
    key = jax.random.key(seed)
    ks = jax.random.split(key, 9)
    sc = lambda fan: 1.0 / np.sqrt(fan)
    inp = {}
    inp["input"] = jax.random.normal(ks[0], (B, S, D_IN), dtype=jnp.float32)
    inp["init_hidden"] = jax.random.normal(ks[1], (B, NUM_K, HIDDEN), dtype=jnp.float32) * 0.1
    inp["W_q"] = jax.random.normal(ks[2], (HIDDEN, D_K), dtype=jnp.float32) * sc(HIDDEN)
    inp["W_k"] = jax.random.normal(ks[3], (D_IN, D_K), dtype=jnp.float32) * sc(D_IN)
    inp["W_v"] = jax.random.normal(ks[4], (D_IN, D_V), dtype=jnp.float32) * sc(D_IN)
    inp["W_x"] = jax.random.normal(ks[5], (D_V, 3 * HIDDEN), dtype=jnp.float32) * sc(D_V)
    inp["W_h"] = jax.random.normal(ks[6], (HIDDEN, 3 * HIDDEN), dtype=jnp.float32) * sc(HIDDEN)
    inp["b_x"] = jnp.zeros((3 * HIDDEN,), dtype=jnp.float32)
    inp["b_h"] = jnp.zeros((3 * HIDDEN,), dtype=jnp.float32)
    return inp


def reference(input, init_hidden, W_q, W_k, W_v, W_x, W_h, b_x, b_h):
    Bc, Sc, Din = input.shape
    # null token concatenated so kernels can 'attend to nothing'
    null_tensor = jnp.zeros((Bc, 1, Din), dtype=input.dtype)
    null_concated_input = jnp.concatenate([input, null_tensor], axis=1)  # [B, S+1, Din]
    # projections: queries from per-RIM hidden states, keys/values from input
    queries = init_hidden @ W_q                       # [B, K, Dk]
    keys = null_concated_input @ W_k                  # [B, S+1, Dk]
    values = null_concated_input @ W_v                # [B, S+1, Dv]
    sim = jnp.einsum('bkd,bsd->bks', queries, keys) / jnp.sqrt(jnp.float32(D_K))
    attention_similarity_matrix = jax.nn.softmax(sim, axis=-1)  # [B, K, S+1]
    # select top-k kernels with SMALLEST attention on the null slot (last index)
    null_attn = attention_similarity_matrix[:, :, -1]           # [B, K]
    _, topk_indices = jax.lax.top_k(-null_attn, ACTIVE)         # [B, active]
    # update mask over kernels
    update_mask = jnp.zeros((Bc, NUM_K), dtype=input.dtype).at[
        jnp.arange(Bc)[:, None], topk_indices].set(1.0)          # [B, K]
    # attended input per kernel, masked to active kernels
    attended = jnp.einsum('bks,bsv->bkv', attention_similarity_matrix, values)
    attended = attended * update_mask[:, :, None]
    # GRU dynamics per kernel
    gates_x = attended @ W_x + b_x                    # [B, K, 3H]
    gates_h = init_hidden @ W_h + b_h                 # [B, K, 3H]
    xr, xz, xn = jnp.split(gates_x, 3, axis=-1)
    hr, hz, hn = jnp.split(gates_h, 3, axis=-1)
    r = jax.nn.sigmoid(xr + hr)
    z = jax.nn.sigmoid(xz + hz)
    n = jnp.tanh(xn + r * hn)
    new_h = (1.0 - z) * n + z * init_hidden
    # only active kernels update their hidden state
    m = update_mask[:, :, None]
    updated_hidden = m * new_h + (1.0 - m) * init_hidden
    return updated_hidden

if __name__ == "__main__":
    import jax
    _d = setup_inputs()
    print(jax.jit(kernel)(*tuple(_d.values())))

</pallas_src>

<mosaic_0001>
#map = affine_map<(d0, d1) -> (0)>
module attributes {stable_mosaic.version = 14 : i64} {
  func.func @_sc_select(%arg0: i32, %arg1: i32, %arg2: memref<2048xf32, #tpu.memory_space<hbm>>, %arg3: memref<2048xf32, #tpu.memory_space<hbm>>, %arg4: memref<64xf32, #tpu.memory_space<vmem>>, %arg5: memref<64xf32, #tpu.memory_space<vmem>>, %arg6: memref<!tpu.dma_semaphore, #tpu.memory_space<semaphore_mem>>, %arg7: memref<!tpu.dma_semaphore, #tpu.memory_space<semaphore_mem>>) attributes {dimension_semantics = [#tpu.dimension_semantics<core_parallel>, #tpu.dimension_semantics<subcore_parallel>], iteration_bounds = array<i64: 2, 16>, scalar_prefetch = 0 : i64, scratch_operands = 4 : i64, tpu.core_type = #tpu.core_type<sc_vector_subcore>, window_params = [{transform_indices = #map}, {transform_indices = #map}]} {
    %mul3A = arith.constant 16 : i32
    %mul3A_0 = arith.muli %arg0, %mul3A : i32
    %add3A = arith.addi %mul3A_0, %arg1 : i32
    %mul3A_1 = arith.constant 64 : i32
    %mul3A_2 = arith.muli %add3A, %mul3A_1 : i32
    %dma_start3A = tpu.memref_slice %arg2[%mul3A_2] : memref<2048xf32, #tpu.memory_space<hbm>> -> memref<64xf32, #tpu.memory_space<hbm>>
    %dma_start3A_3 = tpu.memref_slice %arg2[%mul3A_2] : memref<2048xf32, #tpu.memory_space<hbm>> -> memref<64xf32, #tpu.memory_space<hbm>>
    tpu.enqueue_dma source(%dma_start3A_3 : memref<64xf32, #tpu.memory_space<hbm>>) target(%arg4 : memref<64xf32, #tpu.memory_space<vmem>>) target_semaphore(%arg6 : memref<!tpu.dma_semaphore, #tpu.memory_space<semaphore_mem>>)
    %dma_wait3A = tpu.memref_slice %arg2[%mul3A_2] : memref<2048xf32, #tpu.memory_space<hbm>> -> memref<64xf32, #tpu.memory_space<hbm>>
    %dma_wait3A_4 = tpu.memref_slice %arg2[%mul3A_2] : memref<2048xf32, #tpu.memory_space<hbm>> -> memref<64xf32, #tpu.memory_space<hbm>>
    tpu.wait_dma2 semaphore(%arg6 : memref<!tpu.dma_semaphore, #tpu.memory_space<semaphore_mem>>) src(%dma_wait3A_4 : memref<64xf32, #tpu.memory_space<hbm>>) dst(%arg4 : memref<64xf32, #tpu.memory_space<vmem>>)
    %iota3A = tpu.iota {dimensions = array<i32: 0>} : vector<16xi32>
    %get3A = arith.constant 0 : index
    %get3A_5 = tpu.vector_load %arg4[%get3A] {strides = array<i32>} : memref<64xf32, #tpu.memory_space<vmem>>, vector<16xf32>,
    %get3A_6 = vector.shape_cast %get3A_5 : vector<16xf32> to vector<16xf32>
    %broadcast_in_dim3A = arith.constant 0 : i32
    %broadcast_in_dim3A_7 = vector.broadcast %broadcast_in_dim3A : i32 to vector<16xi32>
    %slice3A = vector.extract_strided_slice %get3A_6 {offsets = [0], sizes = [1], strides = [1]} : vector<16xf32> to vector<1xf32>
    %squeeze3A = vector.extract %slice3A[0] : f32 from vector<1xf32>
    %broadcast_in_dim3A_8 = vector.broadcast %squeeze3A : f32 to vector<16xf32>
    %lt3A = arith.cmpf olt, %broadcast_in_dim3A_8, %get3A_6 : vector<16xf32>
    %eq3A = arith.cmpf oeq, %broadcast_in_dim3A_8, %get3A_6 : vector<16xf32>
    %gt3A = arith.constant 0 : i32
    %gt3A_9 = vector.broadcast %gt3A : i32 to vector<16xi32>
    %gt3A_10 = arith.cmpi sgt, %iota3A, %gt3A_9 : vector<16xi32>
    %and3A = arith.andi %eq3A, %gt3A_10 : vector<16xi1>
    %or3A = arith.ori %lt3A, %and3A : vector<16xi1>
    %jit3A = arith.constant 1 : i32
    %jit3A_11 = arith.constant 0 : i32
    %broadcast_in_dim3A_12 = vector.broadcast %jit3A : i32 to vector<16xi32>
    %broadcast_in_dim3A_13 = vector.broadcast %jit3A_11 : i32 to vector<16xi32>
    %select_n3A = arith.select %or3A, %broadcast_in_dim3A_12, %broadcast_in_dim3A_13 : vector<16xi1>, vector<16xi32>
    %add3A_14 = arith.addi %broadcast_in_dim3A_7, %select_n3A : vector<16xi32>
    %slice3A_15 = vector.extract_strided_slice %get3A_6 {offsets = [1], sizes = [1], strides = [1]} : vector<16xf32> to vector<1xf32>
    %squeeze3A_16 = vector.extract %slice3A_15[0] : f32 from vector<1xf32>
    %broadcast_in_dim3A_17 = vector.broadcast %squeeze3A_16 : f32 to vector<16xf32>
    %lt3A_18 = arith.cmpf olt, %broadcast_in_dim3A_17, %get3A_6 : vector<16xf32>
    %eq3A_19 = arith.cmpf oeq, %broadcast_in_dim3A_17, %get3A_6 : vector<16xf32>
    %gt3A_20 = arith.constant 1 : i32
    %gt3A_21 = vector.broadcast %gt3A_20 : i32 to vector<16xi32>
    %gt3A_22 = arith.cmpi sgt, %iota3A, %gt3A_21 : vector<16xi32>
    %and3A_23 = arith.andi %eq3A_19, %gt3A_22 : vector<16xi1>
    %or3A_24 = arith.ori %lt3A_18, %and3A_23 : vector<16xi1>
    %jit3A_25 = arith.constant 1 : i32
    %jit3A_26 = arith.constant 0 : i32
    %broadcast_in_dim3A_27 = vector.broadcast %jit3A_25 : i32 to vector<16xi32>
    %broadcast_in_dim3A_28 = vector.broadcast %jit3A_26 : i32 to vector<16xi32>
    %select_n3A_29 = arith.select %or3A_24, %broadcast_in_dim3A_27, %broadcast_in_dim3A_28 : vector<16xi1>, vector<16xi32>
    %add3A_30 = arith.addi %add3A_14, %select_n3A_29 : vector<16xi32>
    %slice3A_31 = vector.extract_strided_slice %get3A_6 {offsets = [2], sizes = [1], strides = [1]} : vector<16xf32> to vector<1xf32>
    %squeeze3A_32 = vector.extract %slice3A_31[0] : f32 from vector<1xf32>
    %broadcast_in_dim3A_33 = vector.broadcast %squeeze3A_32 : f32 to vector<16xf32>
    %lt3A_34 = arith.cmpf olt, %broadcast_in_dim3A_33, %get3A_6 : vector<16xf32>
    %eq3A_35 = arith.cmpf oeq, %broadcast_in_dim3A_33, %get3A_6 : vector<16xf32>
    %gt3A_36 = arith.constant 2 : i32
    %gt3A_37 = vector.broadcast %gt3A_36 : i32 to vector<16xi32>
    %gt3A_38 = arith.cmpi sgt, %iota3A, %gt3A_37 : vector<16xi32>
    %and3A_39 = arith.andi %eq3A_35, %gt3A_38 : vector<16xi1>
    %or3A_40 = arith.ori %lt3A_34, %and3A_39 : vector<16xi1>
    %jit3A_41 = arith.constant 1 : i32
    %jit3A_42 = arith.constant 0 : i32
    %broadcast_in_dim3A_43 = vector.broadcast %jit3A_41 : i32 to vector<16xi32>
    %broadcast_in_dim3A_44 = vector.broadcast %jit3A_42 : i32 to vector<16xi32>
    %select_n3A_45 = arith.select %or3A_40, %broadcast_in_dim3A_43, %broadcast_in_dim3A_44 : vector<16xi1>, vector<16xi32>
    %add3A_46 = arith.addi %add3A_30, %select_n3A_45 : vector<16xi32>
    %slice3A_47 = vector.extract_strided_slice %get3A_6 {offsets = [3], sizes = [1], strides = [1]} : vector<16xf32> to vector<1xf32>
    %squeeze3A_48 = vector.extract %slice3A_47[0] : f32 from vector<1xf32>
    %broadcast_in_dim3A_49 = vector.broadcast %squeeze3A_48 : f32 to vector<16xf32>
    %lt3A_50 = arith.cmpf olt, %broadcast_in_dim3A_49, %get3A_6 : vector<16xf32>
    %eq3A_51 = arith.cmpf oeq, %broadcast_in_dim3A_49, %get3A_6 : vector<16xf32>
    %gt3A_52 = arith.constant 3 : i32
    %gt3A_53 = vector.broadcast %gt3A_52 : i32 to vector<16xi32>
    %gt3A_54 = arith.cmpi sgt, %iota3A, %gt3A_53 : vector<16xi32>
    %and3A_55 = arith.andi %eq3A_51, %gt3A_54 : vector<16xi1>
    %or3A_56 = arith.ori %lt3A_50, %and3A_55 : vector<16xi1>
    %jit3A_57 = arith.constant 1 : i32
    %jit3A_58 = arith.constant 0 : i32
    %broadcast_in_dim3A_59 = vector.broadcast %jit3A_57 : i32 to vector<16xi32>
    %broadcast_in_dim3A_60 = vector.broadcast %jit3A_58 : i32 to vector<16xi32>
    %select_n3A_61 = arith.select %or3A_56, %broadcast_in_dim3A_59, %broadcast_in_dim3A_60 : vector<16xi1>, vector<16xi32>
    %add3A_62 = arith.addi %add3A_46, %select_n3A_61 : vector<16xi32>
    %slice3A_63 = vector.extract_strided_slice %get3A_6 {offsets = [4], sizes = [1], strides = [1]} : vector<16xf32> to vector<1xf32>
    %squeeze3A_64 = vector.extract %slice3A_63[0] : f32 from vector<1xf32>
    %broadcast_in_dim3A_65 = vector.broadcast %squeeze3A_64 : f32 to vector<16xf32>
    %lt3A_66 = arith.cmpf olt, %broadcast_in_dim3A_65, %get3A_6 : vector<16xf32>
    %eq3A_67 = arith.cmpf oeq, %broadcast_in_dim3A_65, %get3A_6 : vector<16xf32>
    %gt3A_68 = arith.constant 4 : i32
    %gt3A_69 = vector.broadcast %gt3A_68 : i32 to vector<16xi32>
    %gt3A_70 = arith.cmpi sgt, %iota3A, %gt3A_69 : vector<16xi32>
    %and3A_71 = arith.andi %eq3A_67, %gt3A_70 : vector<16xi1>
    %or3A_72 = arith.ori %lt3A_66, %and3A_71 : vector<16xi1>
    %jit3A_73 = arith.constant 1 : i32
    %jit3A_74 = arith.constant 0 : i32
    %broadcast_in_dim3A_75 = vector.broadcast %jit3A_73 : i32 to vector<16xi32>
    %broadcast_in_dim3A_76 = vector.broadcast %jit3A_74 : i32 to vector<16xi32>
    %select_n3A_77 = arith.select %or3A_72, %broadcast_in_dim3A_75, %broadcast_in_dim3A_76 : vector<16xi1>, vector<16xi32>
    %add3A_78 = arith.addi %add3A_62, %select_n3A_77 : vector<16xi32>
    %slice3A_79 = vector.extract_strided_slice %get3A_6 {offsets = [5], sizes = [1], strides = [1]} : vector<16xf32> to vector<1xf32>
    %squeeze3A_80 = vector.extract %slice3A_79[0] : f32 from vector<1xf32>
    %broadcast_in_dim3A_81 = vector.broadcast %squeeze3A_80 : f32 to vector<16xf32>
    %lt3A_82 = arith.cmpf olt, %broadcast_in_dim3A_81, %get3A_6 : vector<16xf32>
    %eq3A_83 = arith.cmpf oeq, %broadcast_in_dim3A_81, %get3A_6 : vector<16xf32>
    %gt3A_84 = arith.constant 5 : i32
    %gt3A_85 = vector.broadcast %gt3A_84 : i32 to vector<16xi32>
    %gt3A_86 = arith.cmpi sgt, %iota3A, %gt3A_85 : vector<16xi32>
    %and3A_87 = arith.andi %eq3A_83, %gt3A_86 : vector<16xi1>
    %or3A_88 = arith.ori %lt3A_82, %and3A_87 : vector<16xi1>
    %jit3A_89 = arith.constant 1 : i32
    %jit3A_90 = arith.constant 0 : i32
    %broadcast_in_dim3A_91 = vector.broadcast %jit3A_89 : i32 to vector<16xi32>
    %broadcast_in_dim3A_92 = vector.broadcast %jit3A_90 : i32 to vector<16xi32>
    %select_n3A_93 = arith.select %or3A_88, %broadcast_in_dim3A_91, %broadcast_in_dim3A_92 : vector<16xi1>, vector<16xi32>
    %add3A_94 = arith.addi %add3A_78, %select_n3A_93 : vector<16xi32>
    %slice3A_95 = vector.extract_strided_slice %get3A_6 {offsets = [6], sizes = [1], strides = [1]} : vector<16xf32> to vector<1xf32>
    %squeeze3A_96 = vector.extract %slice3A_95[0] : f32 from vector<1xf32>
    %broadcast_in_dim3A_97 = vector.broadcast %squeeze3A_96 : f32 to vector<16xf32>
    %lt3A_98 = arith.cmpf olt, %broadcast_in_dim3A_97, %get3A_6 : vector<16xf32>
    %eq3A_99 = arith.cmpf oeq, %broadcast_in_dim3A_97, %get3A_6 : vector<16xf32>
    %gt3A_100 = arith.constant 6 : i32
    %gt3A_101 = vector.broadcast %gt3A_100 : i32 to vector<16xi32>
    %gt3A_102 = arith.cmpi sgt, %iota3A, %gt3A_101 : vector<16xi32>
    %and3A_103 = arith.andi %eq3A_99, %gt3A_102 : vector<16xi1>
    %or3A_104 = arith.ori %lt3A_98, %and3A_103 : vector<16xi1>
    %jit3A_105 = arith.constant 1 : i32
    %jit3A_106 = arith.constant 0 : i32
    %broadcast_in_dim3A_107 = vector.broadcast %jit3A_105 : i32 to vector<16xi32>
    %broadcast_in_dim3A_108 = vector.broadcast %jit3A_106 : i32 to vector<16xi32>
    %select_n3A_109 = arith.select %or3A_104, %broadcast_in_dim3A_107, %broadcast_in_dim3A_108 : vector<16xi1>, vector<16xi32>
    %add3A_110 = arith.addi %add3A_94, %select_n3A_109 : vector<16xi32>
    %slice3A_111 = vector.extract_strided_slice %get3A_6 {offsets = [7], sizes = [1], strides = [1]} : vector<16xf32> to vector<1xf32>
    %squeeze3A_112 = vector.extract %slice3A_111[0] : f32 from vector<1xf32>
    %broadcast_in_dim3A_113 = vector.broadcast %squeeze3A_112 : f32 to vector<16xf32>
    %lt3A_114 = arith.cmpf olt, %broadcast_in_dim3A_113, %get3A_6 : vector<16xf32>
    %eq3A_115 = arith.cmpf oeq, %broadcast_in_dim3A_113, %get3A_6 : vector<16xf32>
    %gt3A_116 = arith.constant 7 : i32
    %gt3A_117 = vector.broadcast %gt3A_116 : i32 to vector<16xi32>
    %gt3A_118 = arith.cmpi sgt, %iota3A, %gt3A_117 : vector<16xi32>
    %and3A_119 = arith.andi %eq3A_115, %gt3A_118 : vector<16xi1>
    %or3A_120 = arith.ori %lt3A_114, %and3A_119 : vector<16xi1>
    %jit3A_121 = arith.constant 1 : i32
    %jit3A_122 = arith.constant 0 : i32
    %broadcast_in_dim3A_123 = vector.broadcast %jit3A_121 : i32 to vector<16xi32>
    %broadcast_in_dim3A_124 = vector.broadcast %jit3A_122 : i32 to vector<16xi32>
    %select_n3A_125 = arith.select %or3A_120, %broadcast_in_dim3A_123, %broadcast_in_dim3A_124 : vector<16xi1>, vector<16xi32>
    %add3A_126 = arith.addi %add3A_110, %select_n3A_125 : vector<16xi32>
    %slice3A_127 = vector.extract_strided_slice %get3A_6 {offsets = [8], sizes = [1], strides = [1]} : vector<16xf32> to vector<1xf32>
    %squeeze3A_128 = vector.extract %slice3A_127[0] : f32 from vector<1xf32>
    %broadcast_in_dim3A_129 = vector.broadcast %squeeze3A_128 : f32 to vector<16xf32>
    %lt3A_130 = arith.cmpf olt, %broadcast_in_dim3A_129, %get3A_6 : vector<16xf32>
    %eq3A_131 = arith.cmpf oeq, %broadcast_in_dim3A_129, %get3A_6 : vector<16xf32>
    %gt3A_132 = arith.constant 8 : i32
    %gt3A_133 = vector.broadcast %gt3A_132 : i32 to vector<16xi32>
    %gt3A_134 = arith.cmpi sgt, %iota3A, %gt3A_133 : vector<16xi32>
    %and3A_135 = arith.andi %eq3A_131, %gt3A_134 : vector<16xi1>
    %or3A_136 = arith.ori %lt3A_130, %and3A_135 : vector<16xi1>
    %jit3A_137 = arith.constant 1 : i32
    %jit3A_138 = arith.constant 0 : i32
    %broadcast_in_dim3A_139 = vector.broadcast %jit3A_137 : i32 to vector<16xi32>
    %broadcast_in_dim3A_140 = vector.broadcast %jit3A_138 : i32 to vector<16xi32>
    %select_n3A_141 = arith.select %or3A_136, %broadcast_in_dim3A_139, %broadcast_in_dim3A_140 : vector<16xi1>, vector<16xi32>
    %add3A_142 = arith.addi %add3A_126, %select_n3A_141 : vector<16xi32>
    %slice3A_143 = vector.extract_strided_slice %get3A_6 {offsets = [9], sizes = [1], strides = [1]} : vector<16xf32> to vector<1xf32>
    %squeeze3A_144 = vector.extract %slice3A_143[0] : f32 from vector<1xf32>
    %broadcast_in_dim3A_145 = vector.broadcast %squeeze3A_144 : f32 to vector<16xf32>
    %lt3A_146 = arith.cmpf olt, %broadcast_in_dim3A_145, %get3A_6 : vector<16xf32>
    %eq3A_147 = arith.cmpf oeq, %broadcast_in_dim3A_145, %get3A_6 : vector<16xf32>
    %gt3A_148 = arith.constant 9 : i32
    %gt3A_149 = vector.broadcast %gt3A_148 : i32 to vector<16xi32>
    %gt3A_150 = arith.cmpi sgt, %iota3A, %gt3A_149 : vector<16xi32>
    %and3A_151 = arith.andi %eq3A_147, %gt3A_150 : vector<16xi1>
    %or3A_152 = arith.ori %lt3A_146, %and3A_151 : vector<16xi1>
    %jit3A_153 = arith.constant 1 : i32
    %jit3A_154 = arith.constant 0 : i32
    %broadcast_in_dim3A_155 = vector.broadcast %jit3A_153 : i32 to vector<16xi32>
    %broadcast_in_dim3A_156 = vector.broadcast %jit3A_154 : i32 to vector<16xi32>
    %select_n3A_157 = arith.select %or3A_152, %broadcast_in_dim3A_155, %broadcast_in_dim3A_156 : vector<16xi1>, vector<16xi32>
    %add3A_158 = arith.addi %add3A_142, %select_n3A_157 : vector<16xi32>
    %slice3A_159 = vector.extract_strided_slice %get3A_6 {offsets = [10], sizes = [1], strides = [1]} : vector<16xf32> to vector<1xf32>
    %squeeze3A_160 = vector.extract %slice3A_159[0] : f32 from vector<1xf32>
    %broadcast_in_dim3A_161 = vector.broadcast %squeeze3A_160 : f32 to vector<16xf32>
    %lt3A_162 = arith.cmpf olt, %broadcast_in_dim3A_161, %get3A_6 : vector<16xf32>
    %eq3A_163 = arith.cmpf oeq, %broadcast_in_dim3A_161, %get3A_6 : vector<16xf32>
    %gt3A_164 = arith.constant 10 : i32
    %gt3A_165 = vector.broadcast %gt3A_164 : i32 to vector<16xi32>
    %gt3A_166 = arith.cmpi sgt, %iota3A, %gt3A_165 : vector<16xi32>
    %and3A_167 = arith.andi %eq3A_163, %gt3A_166 : vector<16xi1>
    %or3A_168 = arith.ori %lt3A_162, %and3A_167 : vector<16xi1>
    %jit3A_169 = arith.constant 1 : i32
    %jit3A_170 = arith.constant 0 : i32
    %broadcast_in_dim3A_171 = vector.broadcast %jit3A_169 : i32 to vector<16xi32>
    %broadcast_in_dim3A_172 = vector.broadcast %jit3A_170 : i32 to vector<16xi32>
    %select_n3A_173 = arith.select %or3A_168, %broadcast_in_dim3A_171, %broadcast_in_dim3A_172 : vector<16xi1>, vector<16xi32>
    %add3A_174 = arith.addi %add3A_158, %select_n3A_173 : vector<16xi32>
    %slice3A_175 = vector.extract_strided_slice %get3A_6 {offsets = [11], sizes = [1], strides = [1]} : vector<16xf32> to vector<1xf32>
    %squeeze3A_176 = vector.extract %slice3A_175[0] : f32 from vector<1xf32>
    %broadcast_in_dim3A_177 = vector.broadcast %squeeze3A_176 : f32 to vector<16xf32>
    %lt3A_178 = arith.cmpf olt, %broadcast_in_dim3A_177, %get3A_6 : vector<16xf32>
    %eq3A_179 = arith.cmpf oeq, %broadcast_in_dim3A_177, %get3A_6 : vector<16xf32>
    %gt3A_180 = arith.constant 11 : i32
    %gt3A_181 = vector.broadcast %gt3A_180 : i32 to vector<16xi32>
    %gt3A_182 = arith.cmpi sgt, %iota3A, %gt3A_181 : vector<16xi32>
    %and3A_183 = arith.andi %eq3A_179, %gt3A_182 : vector<16xi1>
    %or3A_184 = arith.ori %lt3A_178, %and3A_183 : vector<16xi1>
    %jit3A_185 = arith.constant 1 : i32
    %jit3A_186 = arith.constant 0 : i32
    %broadcast_in_dim3A_187 = vector.broadcast %jit3A_185 : i32 to vector<16xi32>
    %broadcast_in_dim3A_188 = vector.broadcast %jit3A_186 : i32 to vector<16xi32>
    %select_n3A_189 = arith.select %or3A_184, %broadcast_in_dim3A_187, %broadcast_in_dim3A_188 : vector<16xi1>, vector<16xi32>
    %add3A_190 = arith.addi %add3A_174, %select_n3A_189 : vector<16xi32>
    %slice3A_191 = vector.extract_strided_slice %get3A_6 {offsets = [12], sizes = [1], strides = [1]} : vector<16xf32> to vector<1xf32>
    %squeeze3A_192 = vector.extract %slice3A_191[0] : f32 from vector<1xf32>
    %broadcast_in_dim3A_193 = vector.broadcast %squeeze3A_192 : f32 to vector<16xf32>
    %lt3A_194 = arith.cmpf olt, %broadcast_in_dim3A_193, %get3A_6 : vector<16xf32>
    %eq3A_195 = arith.cmpf oeq, %broadcast_in_dim3A_193, %get3A_6 : vector<16xf32>
    %gt3A_196 = arith.constant 12 : i32
    %gt3A_197 = vector.broadcast %gt3A_196 : i32 to vector<16xi32>
    %gt3A_198 = arith.cmpi sgt, %iota3A, %gt3A_197 : vector<16xi32>
    %and3A_199 = arith.andi %eq3A_195, %gt3A_198 : vector<16xi1>
    %or3A_200 = arith.ori %lt3A_194, %and3A_199 : vector<16xi1>
    %jit3A_201 = arith.constant 1 : i32
    %jit3A_202 = arith.constant 0 : i32
    %broadcast_in_dim3A_203 = vector.broadcast %jit3A_201 : i32 to vector<16xi32>
    %broadcast_in_dim3A_204 = vector.broadcast %jit3A_202 : i32 to vector<16xi32>
    %select_n3A_205 = arith.select %or3A_200, %broadcast_in_dim3A_203, %broadcast_in_dim3A_204 : vector<16xi1>, vector<16xi32>
    %add3A_206 = arith.addi %add3A_190, %select_n3A_205 : vector<16xi32>
    %slice3A_207 = vector.extract_strided_slice %get3A_6 {offsets = [13], sizes = [1], strides = [1]} : vector<16xf32> to vector<1xf32>
    %squeeze3A_208 = vector.extract %slice3A_207[0] : f32 from vector<1xf32>
    %broadcast_in_dim3A_209 = vector.broadcast %squeeze3A_208 : f32 to vector<16xf32>
    %lt3A_210 = arith.cmpf olt, %broadcast_in_dim3A_209, %get3A_6 : vector<16xf32>
    %eq3A_211 = arith.cmpf oeq, %broadcast_in_dim3A_209, %get3A_6 : vector<16xf32>
    %gt3A_212 = arith.constant 13 : i32
    %gt3A_213 = vector.broadcast %gt3A_212 : i32 to vector<16xi32>
    %gt3A_214 = arith.cmpi sgt, %iota3A, %gt3A_213 : vector<16xi32>
    %and3A_215 = arith.andi %eq3A_211, %gt3A_214 : vector<16xi1>
    %or3A_216 = arith.ori %lt3A_210, %and3A_215 : vector<16xi1>
    %jit3A_217 = arith.constant 1 : i32
    %jit3A_218 = arith.constant 0 : i32
    %broadcast_in_dim3A_219 = vector.broadcast %jit3A_217 : i32 to vector<16xi32>
    %broadcast_in_dim3A_220 = vector.broadcast %jit3A_218 : i32 to vector<16xi32>
    %select_n3A_221 = arith.select %or3A_216, %broadcast_in_dim3A_219, %broadcast_in_dim3A_220 : vector<16xi1>, vector<16xi32>
    %add3A_222 = arith.addi %add3A_206, %select_n3A_221 : vector<16xi32>
    %slice3A_223 = vector.extract_strided_slice %get3A_6 {offsets = [14], sizes = [1], strides = [1]} : vector<16xf32> to vector<1xf32>
    %squeeze3A_224 = vector.extract %slice3A_223[0] : f32 from vector<1xf32>
    %broadcast_in_dim3A_225 = vector.broadcast %squeeze3A_224 : f32 to vector<16xf32>
    %lt3A_226 = arith.cmpf olt, %broadcast_in_dim3A_225, %get3A_6 : vector<16xf32>
    %eq3A_227 = arith.cmpf oeq, %broadcast_in_dim3A_225, %get3A_6 : vector<16xf32>
    %gt3A_228 = arith.constant 14 : i32
    %gt3A_229 = vector.broadcast %gt3A_228 : i32 to vector<16xi32>
    %gt3A_230 = arith.cmpi sgt, %iota3A, %gt3A_229 : vector<16xi32>
    %and3A_231 = arith.andi %eq3A_227, %gt3A_230 : vector<16xi1>
    %or3A_232 = arith.ori %lt3A_226, %and3A_231 : vector<16xi1>
    %jit3A_233 = arith.constant 1 : i32
    %jit3A_234 = arith.constant 0 : i32
    %broadcast_in_dim3A_235 = vector.broadcast %jit3A_233 : i32 to vector<16xi32>
    %broadcast_in_dim3A_236 = vector.broadcast %jit3A_234 : i32 to vector<16xi32>
    %select_n3A_237 = arith.select %or3A_232, %broadcast_in_dim3A_235, %broadcast_in_dim3A_236 : vector<16xi1>, vector<16xi32>
    %add3A_238 = arith.addi %add3A_222, %select_n3A_237 : vector<16xi32>
    %slice3A_239 = vector.extract_strided_slice %get3A_6 {offsets = [15], sizes = [1], strides = [1]} : vector<16xf32> to vector<1xf32>
    %squeeze3A_240 = vector.extract %slice3A_239[0] : f32 from vector<1xf32>
    %broadcast_in_dim3A_241 = vector.broadcast %squeeze3A_240 : f32 to vector<16xf32>
    %lt3A_242 = arith.cmpf olt, %broadcast_in_dim3A_241, %get3A_6 : vector<16xf32>
    %eq3A_243 = arith.cmpf oeq, %broadcast_in_dim3A_241, %get3A_6 : vector<16xf32>
    %gt3A_244 = arith.constant 15 : i32
    %gt3A_245 = vector.broadcast %gt3A_244 : i32 to vector<16xi32>
    %gt3A_246 = arith.cmpi sgt, %iota3A, %gt3A_245 : vector<16xi32>
    %and3A_247 = arith.andi %eq3A_243, %gt3A_246 : vector<16xi1>
    %or3A_248 = arith.ori %lt3A_242, %and3A_247 : vector<16xi1>
    %jit3A_249 = arith.constant 1 : i32
    %jit3A_250 = arith.constant 0 : i32
    %broadcast_in_dim3A_251 = vector.broadcast %jit3A_249 : i32 to vector<16xi32>
    %broadcast_in_dim3A_252 = vector.broadcast %jit3A_250 : i32 to vector<16xi32>
    %select_n3A_253 = arith.select %or3A_248, %broadcast_in_dim3A_251, %broadcast_in_dim3A_252 : vector<16xi1>, vector<16xi32>
    %add3A_254 = arith.addi %add3A_238, %select_n3A_253 : vector<16xi32>
    %mul3A_255 = arith.constant 4 : i32
    %mul3A_256 = arith.muli %add3A, %mul3A_255 : i32
    %add3A_257 = arith.constant 0 : i32
    %add3A_258 = arith.addi %mul3A_256, %add3A_257 : i32
    %lt3A_259 = arith.constant 8 : i32
    %lt3A_260 = vector.broadcast %lt3A_259 : i32 to vector<16xi32>
    %lt3A_261 = arith.cmpi slt, %add3A_254, %lt3A_260 : vector<16xi32>
    %mul3A_262 = arith.constant 8 : i32
    %mul3A_263 = arith.muli %add3A_258, %mul3A_262 : i32
    %add3A_264 = vector.broadcast %mul3A_263 : i32 to vector<16xi32>
    %add3A_265 = arith.addi %add3A_264, %add3A_254 : vector<16xi32>
    %jit3A_266 = arith.constant -1 : i32
    %broadcast_in_dim3A_267 = vector.broadcast %jit3A_266 : i32 to vector<16xi32>
    %select_n3A_268 = arith.select %lt3A_261, %add3A_265, %broadcast_in_dim3A_267 : vector<16xi1>, vector<16xi32>
    %convert_element_type3A = arith.sitofp %select_n3A_268 : vector<16xi32> to vector<16xf32>
    %swap3A = arith.constant 0 : index
    %swap3A_269 = tpu.vector_load %arg5[%swap3A] {strides = array<i32>} : memref<64xf32, #tpu.memory_space<vmem>>, vector<16xf32>,
    %swap3A_270 = vector.shape_cast %swap3A_269 : vector<16xf32> to vector<16xf32>
    %swap3A_271 = vector.shape_cast %convert_element_type3A : vector<16xf32> to vector<16xf32>
    tpu.vector_store %arg5[%swap3A], %swap3A_271 {strides = array<i32>} : memref<64xf32, #tpu.memory_space<vmem>>, vector<16xf32>,
    %get3A_272 = arith.constant 16 : index
    %get3A_273 = tpu.vector_load %arg4[%get3A_272] {strides = array<i32>} : memref<64xf32, #tpu.memory_space<vmem>>, vector<16xf32>,
    %get3A_274 = vector.shape_cast %get3A_273 : vector<16xf32> to vector<16xf32>
    %broadcast_in_dim3A_275 = arith.constant 0 : i32
    %broadcast_in_dim3A_276 = vector.broadcast %broadcast_in_dim3A_275 : i32 to vector<16xi32>
    %slice3A_277 = vector.extract_strided_slice %get3A_274 {offsets = [0], sizes = [1], strides = [1]} : vector<16xf32> to vector<1xf32>
    %squeeze3A_278 = vector.extract %slice3A_277[0] : f32 from vector<1xf32>
    %broadcast_in_dim3A_279 = vector.broadcast %squeeze3A_278 : f32 to vector<16xf32>
    %lt3A_280 = arith.cmpf olt, %broadcast_in_dim3A_279, %get3A_274 : vector<16xf32>
    %eq3A_281 = arith.cmpf oeq, %broadcast_in_dim3A_279, %get3A_274 : vector<16xf32>
    %gt3A_282 = arith.constant 0 : i32
    %gt3A_283 = vector.broadcast %gt3A_282 : i32 to vector<16xi32>
    %gt3A_284 = arith.cmpi sgt, %iota3A, %gt3A_283 : vector<16xi32>
    %and3A_285 = arith.andi %eq3A_281, %gt3A_284 : vector<16xi1>
    %or3A_286 = arith.ori %lt3A_280, %and3A_285 : vector<16xi1>
    %jit3A_287 = arith.constant 1 : i32
    %jit3A_288 = arith.constant 0 : i32
    %broadcast_in_dim3A_289 = vector.broadcast %jit3A_287 : i32 to vector<16xi32>
    %broadcast_in_dim3A_290 = vector.broadcast %jit3A_288 : i32 to vector<16xi32>
    %select_n3A_291 = arith.select %or3A_286, %broadcast_in_dim3A_289, %broadcast_in_dim3A_290 : vector<16xi1>, vector<16xi32>
    %add3A_292 = arith.addi %broadcast_in_dim3A_276, %select_n3A_291 : vector<16xi32>
    %slice3A_293 = vector.extract_strided_slice %get3A_274 {offsets = [1], sizes = [1], strides = [1]} : vector<16xf32> to vector<1xf32>
    %squeeze3A_294 = vector.extract %slice3A_293[0] : f32 from vector<1xf32>
    %broadcast_in_dim3A_295 = vector.broadcast %squeeze3A_294 : f32 to vector<16xf32>
    %lt3A_296 = arith.cmpf olt, %broadcast_in_dim3A_295, %get3A_274 : vector<16xf32>
    %eq3A_297 = arith.cmpf oeq, %broadcast_in_dim3A_295, %get3A_274 : vector<16xf32>
    %gt3A_298 = arith.constant 1 : i32
    %gt3A_299 = vector.broadcast %gt3A_298 : i32 to vector<16xi32>
    %gt3A_300 = arith.cmpi sgt, %iota3A, %gt3A_299 : vector<16xi32>
    %and3A_301 = arith.andi %eq3A_297, %gt3A_300 : vector<16xi1>
    %or3A_302 = arith.ori %lt3A_296, %and3A_301 : vector<16xi1>
    %jit3A_303 = arith.constant 1 : i32
    %jit3A_304 = arith.constant 0 : i32
    %broadcast_in_dim3A_305 = vector.broadcast %jit3A_303 : i32 to vector<16xi32>
    %broadcast_in_dim3A_306 = vector.broadcast %jit3A_304 : i32 to vector<16xi32>
    %select_n3A_307 = arith.select %or3A_302, %broadcast_in_dim3A_305, %broadcast_in_dim3A_306 : vector<16xi1>, vector<16xi32>
    %add3A_308 = arith.addi %add3A_292, %select_n3A_307 : vector<16xi32>
    %slice3A_309 = vector.extract_strided_slice %get3A_274 {offsets = [2], sizes = [1], strides = [1]} : vector<16xf32> to vector<1xf32>
    %squeeze3A_310 = vector.extract %slice3A_309[0] : f32 from vector<1xf32>
    %broadcast_in_dim3A_311 = vector.broadcast %squeeze3A_310 : f32 to vector<16xf32>
    %lt3A_312 = arith.cmpf olt, %broadcast_in_dim3A_311, %get3A_274 : vector<16xf32>
    %eq3A_313 = arith.cmpf oeq, %broadcast_in_dim3A_311, %get3A_274 : vector<16xf32>
    %gt3A_314 = arith.constant 2 : i32
    %gt3A_315 = vector.broadcast %gt3A_314 : i32 to vector<16xi32>
    %gt3A_316 = arith.cmpi sgt, %iota3A, %gt3A_315 : vector<16xi32>
    %and3A_317 = arith.andi %eq3A_313, %gt3A_316 : vector<16xi1>
    %or3A_318 = arith.ori %lt3A_312, %and3A_317 : vector<16xi1>
    %jit3A_319 = arith.constant 1 : i32
    %jit3A_320 = arith.constant 0 : i32
    %broadcast_in_dim3A_321 = vector.broadcast %jit3A_319 : i32 to vector<16xi32>
    %broadcast_in_dim3A_322 = vector.broadcast %jit3A_320 : i32 to vector<16xi32>
    %select_n3A_323 = arith.select %or3A_318, %broadcast_in_dim3A_321, %broadcast_in_dim3A_322 : vector<16xi1>, vector<16xi32>
    %add3A_324 = arith.addi %add3A_308, %select_n3A_323 : vector<16xi32>
    %slice3A_325 = vector.extract_strided_slice %get3A_274 {offsets = [3], sizes = [1], strides = [1]} : vector<16xf32> to vector<1xf32>
    %squeeze3A_326 = vector.extract %slice3A_325[0] : f32 from vector<1xf32>
    %broadcast_in_dim3A_327 = vector.broadcast %squeeze3A_326 : f32 to vector<16xf32>
    %lt3A_328 = arith.cmpf olt, %broadcast_in_dim3A_327, %get3A_274 : vector<16xf32>
    %eq3A_329 = arith.cmpf oeq, %broadcast_in_dim3A_327, %get3A_274 : vector<16xf32>
    %gt3A_330 = arith.constant 3 : i32
    %gt3A_331 = vector.broadcast %gt3A_330 : i32 to vector<16xi32>
    %gt3A_332 = arith.cmpi sgt, %iota3A, %gt3A_331 : vector<16xi32>
    %and3A_333 = arith.andi %eq3A_329, %gt3A_332 : vector<16xi1>
    %or3A_334 = arith.ori %lt3A_328, %and3A_333 : vector<16xi1>
    %jit3A_335 = arith.constant 1 : i32
    %jit3A_336 = arith.constant 0 : i32
    %broadcast_in_dim3A_337 = vector.broadcast %jit3A_335 : i32 to vector<16xi32>
    %broadcast_in_dim3A_338 = vector.broadcast %jit3A_336 : i32 to vector<16xi32>
    %select_n3A_339 = arith.select %or3A_334, %broadcast_in_dim3A_337, %broadcast_in_dim3A_338 : vector<16xi1>, vector<16xi32>
    %add3A_340 = arith.addi %add3A_324, %select_n3A_339 : vector<16xi32>
    %slice3A_341 = vector.extract_strided_slice %get3A_274 {offsets = [4], sizes = [1], strides = [1]} : vector<16xf32> to vector<1xf32>
    %squeeze3A_342 = vector.extract %slice3A_341[0] : f32 from vector<1xf32>
    %broadcast_in_dim3A_343 = vector.broadcast %squeeze3A_342 : f32 to vector<16xf32>
    %lt3A_344 = arith.cmpf olt, %broadcast_in_dim3A_343, %get3A_274 : vector<16xf32>
    %eq3A_345 = arith.cmpf oeq, %broadcast_in_dim3A_343, %get3A_274 : vector<16xf32>
    %gt3A_346 = arith.constant 4 : i32
    %gt3A_347 = vector.broadcast %gt3A_346 : i32 to vector<16xi32>
    %gt3A_348 = arith.cmpi sgt, %iota3A, %gt3A_347 : vector<16xi32>
    %and3A_349 = arith.andi %eq3A_345, %gt3A_348 : vector<16xi1>
    %or3A_350 = arith.ori %lt3A_344, %and3A_349 : vector<16xi1>
    %jit3A_351 = arith.constant 1 : i32
    %jit3A_352 = arith.constant 0 : i32
    %broadcast_in_dim3A_353 = vector.broadcast %jit3A_351 : i32 to vector<16xi32>
    %broadcast_in_dim3A_354 = vector.broadcast %jit3A_352 : i32 to vector<16xi32>
    %select_n3A_355 = arith.select %or3A_350, %broadcast_in_dim3A_353, %broadcast_in_dim3A_354 : vector<16xi1>, vector<16xi32>
    %add3A_356 = arith.addi %add3A_340, %select_n3A_355 : vector<16xi32>
    %slice3A_357 = vector.extract_strided_slice %get3A_274 {offsets = [5], sizes = [1], strides = [1]} : vector<16xf32> to vector<1xf32>
    %squeeze3A_358 = vector.extract %slice3A_357[0] : f32 from vector<1xf32>
    %broadcast_in_dim3A_359 = vector.broadcast %squeeze3A_358 : f32 to vector<16xf32>
    %lt3A_360 = arith.cmpf olt, %broadcast_in_dim3A_359, %get3A_274 : vector<16xf32>
    %eq3A_361 = arith.cmpf oeq, %broadcast_in_dim3A_359, %get3A_274 : vector<16xf32>
    %gt3A_362 = arith.constant 5 : i32
    %gt3A_363 = vector.broadcast %gt3A_362 : i32 to vector<16xi32>
    %gt3A_364 = arith.cmpi sgt, %iota3A, %gt3A_363 : vector<16xi32>
    %and3A_365 = arith.andi %eq3A_361, %gt3A_364 : vector<16xi1>
    %or3A_366 = arith.ori %lt3A_360, %and3A_365 : vector<16xi1>
    %jit3A_367 = arith.constant 1 : i32
    %jit3A_368 = arith.constant 0 : i32
    %broadcast_in_dim3A_369 = vector.broadcast %jit3A_367 : i32 to vector<16xi32>
    %broadcast_in_dim3A_370 = vector.broadcast %jit3A_368 : i32 to vector<16xi32>
    %select_n3A_371 = arith.select %or3A_366, %broadcast_in_dim3A_369, %broadcast_in_dim3A_370 : vector<16xi1>, vector<16xi32>
    %add3A_372 = arith.addi %add3A_356, %select_n3A_371 : vector<16xi32>
    %slice3A_373 = vector.extract_strided_slice %get3A_274 {offsets = [6], sizes = [1], strides = [1]} : vector<16xf32> to vector<1xf32>
    %squeeze3A_374 = vector.extract %slice3A_373[0] : f32 from vector<1xf32>
    %broadcast_in_dim3A_375 = vector.broadcast %squeeze3A_374 : f32 to vector<16xf32>
    %lt3A_376 = arith.cmpf olt, %broadcast_in_dim3A_375, %get3A_274 : vector<16xf32>
    %eq3A_377 = arith.cmpf oeq, %broadcast_in_dim3A_375, %get3A_274 : vector<16xf32>
    %gt3A_378 = arith.constant 6 : i32
    %gt3A_379 = vector.broadcast %gt3A_378 : i32 to vector<16xi32>
    %gt3A_380 = arith.cmpi sgt, %iota3A, %gt3A_379 : vector<16xi32>
    %and3A_381 = arith.andi %eq3A_377, %gt3A_380 : vector<16xi1>
    %or3A_382 = arith.ori %lt3A_376, %and3A_381 : vector<16xi1>
    %jit3A_383 = arith.constant 1 : i32
    %jit3A_384 = arith.constant 0 : i32
    %broadcast_in_dim3A_385 = vector.broadcast %jit3A_383 : i32 to vector<16xi32>
    %broadcast_in_dim3A_386 = vector.broadcast %jit3A_384 : i32 to vector<16xi32>
    %select_n3A_387 = arith.select %or3A_382, %broadcast_in_dim3A_385, %broadcast_in_dim3A_386 : vector<16xi1>, vector<16xi32>
    %add3A_388 = arith.addi %add3A_372, %select_n3A_387 : vector<16xi32>
    %slice3A_389 = vector.extract_strided_slice %get3A_274 {offsets = [7], sizes = [1], strides = [1]} : vector<16xf32> to vector<1xf32>
    %squeeze3A_390 = vector.extract %slice3A_389[0] : f32 from vector<1xf32>
    %broadcast_in_dim3A_391 = vector.broadcast %squeeze3A_390 : f32 to vector<16xf32>
    %lt3A_392 = arith.cmpf olt, %broadcast_in_dim3A_391, %get3A_274 : vector<16xf32>
    %eq3A_393 = arith.cmpf oeq, %broadcast_in_dim3A_391, %get3A_274 : vector<16xf32>
    %gt3A_394 = arith.constant 7 : i32
    %gt3A_395 = vector.broadcast %gt3A_394 : i32 to vector<16xi32>
    %gt3A_396 = arith.cmpi sgt, %iota3A, %gt3A_395 : vector<16xi32>
    %and3A_397 = arith.andi %eq3A_393, %gt3A_396 : vector<16xi1>
    %or3A_398 = arith.ori %lt3A_392, %and3A_397 : vector<16xi1>
    %jit3A_399 = arith.constant 1 : i32
    %jit3A_400 = arith.constant 0 : i32
    %broadcast_in_dim3A_401 = vector.broadcast %jit3A_399 : i32 to vector<16xi32>
    %broadcast_in_dim3A_402 = vector.broadcast %jit3A_400 : i32 to vector<16xi32>
    %select_n3A_403 = arith.select %or3A_398, %broadcast_in_dim3A_401, %broadcast_in_dim3A_402 : vector<16xi1>, vector<16xi32>
    %add3A_404 = arith.addi %add3A_388, %select_n3A_403 : vector<16xi32>
    %slice3A_405 = vector.extract_strided_slice %get3A_274 {offsets = [8], sizes = [1], strides = [1]} : vector<16xf32> to vector<1xf32>
    %squeeze3A_406 = vector.extract %slice3A_405[0] : f32 from vector<1xf32>
    %broadcast_in_dim3A_407 = vector.broadcast %squeeze3A_406 : f32 to vector<16xf32>
    %lt3A_408 = arith.cmpf olt, %broadcast_in_dim3A_407, %get3A_274 : vector<16xf32>
    %eq3A_409 = arith.cmpf oeq, %broadcast_in_dim3A_407, %get3A_274 : vector<16xf32>
    %gt3A_410 = arith.constant 8 : i32
    %gt3A_411 = vector.broadcast %gt3A_410 : i32 to vector<16xi32>
    %gt3A_412 = arith.cmpi sgt, %iota3A, %gt3A_411 : vector<16xi32>
    %and3A_413 = arith.andi %eq3A_409, %gt3A_412 : vector<16xi1>
    %or3A_414 = arith.ori %lt3A_408, %and3A_413 : vector<16xi1>
    %jit3A_415 = arith.constant 1 : i32
    %jit3A_416 = arith.constant 0 : i32
    %broadcast_in_dim3A_417 = vector.broadcast %jit3A_415 : i32 to vector<16xi32>
    %broadcast_in_dim3A_418 = vector.broadcast %jit3A_416 : i32 to vector<16xi32>
    %select_n3A_419 = arith.select %or3A_414, %broadcast_in_dim3A_417, %broadcast_in_dim3A_418 : vector<16xi1>, vector<16xi32>
    %add3A_420 = arith.addi %add3A_404, %select_n3A_419 : vector<16xi32>
    %slice3A_421 = vector.extract_strided_slice %get3A_274 {offsets = [9], sizes = [1], strides = [1]} : vector<16xf32> to vector<1xf32>
    %squeeze3A_422 = vector.extract %slice3A_421[0] : f32 from vector<1xf32>
    %broadcast_in_dim3A_423 = vector.broadcast %squeeze3A_422 : f32 to vector<16xf32>
    %lt3A_424 = arith.cmpf olt, %broadcast_in_dim3A_423, %get3A_274 : vector<16xf32>
    %eq3A_425 = arith.cmpf oeq, %broadcast_in_dim3A_423, %get3A_274 : vector<16xf32>
    %gt3A_426 = arith.constant 9 : i32
    %gt3A_427 = vector.broadcast %gt3A_426 : i32 to vector<16xi32>
    %gt3A_428 = arith.cmpi sgt, %iota3A, %gt3A_427 : vector<16xi32>
    %and3A_429 = arith.andi %eq3A_425, %gt3A_428 : vector<16xi1>
    %or3A_430 = arith.ori %lt3A_424, %and3A_429 : vector<16xi1>
    %jit3A_431 = arith.constant 1 : i32
    %jit3A_432 = arith.constant 0 : i32
    %broadcast_in_dim3A_433 = vector.broadcast %jit3A_431 : i32 to vector<16xi32>
    %broadcast_in_dim3A_434 = vector.broadcast %jit3A_432 : i32 to vector<16xi32>
    %select_n3A_435 = arith.select %or3A_430, %broadcast_in_dim3A_433, %broadcast_in_dim3A_434 : vector<16xi1>, vector<16xi32>
    %add3A_436 = arith.addi %add3A_420, %select_n3A_435 : vector<16xi32>
    %slice3A_437 = vector.extract_strided_slice %get3A_274 {offsets = [10], sizes = [1], strides = [1]} : vector<16xf32> to vector<1xf32>
    %squeeze3A_438 = vector.extract %slice3A_437[0] : f32 from vector<1xf32>
    %broadcast_in_dim3A_439 = vector.broadcast %squeeze3A_438 : f32 to vector<16xf32>
    %lt3A_440 = arith.cmpf olt, %broadcast_in_dim3A_439, %get3A_274 : vector<16xf32>
    %eq3A_441 = arith.cmpf oeq, %broadcast_in_dim3A_439, %get3A_274 : vector<16xf32>
    %gt3A_442 = arith.constant 10 : i32
    %gt3A_443 = vector.broadcast %gt3A_442 : i32 to vector<16xi32>
    %gt3A_444 = arith.cmpi sgt, %iota3A, %gt3A_443 : vector<16xi32>
    %and3A_445 = arith.andi %eq3A_441, %gt3A_444 : vector<16xi1>
    %or3A_446 = arith.ori %lt3A_440, %and3A_445 : vector<16xi1>
    %jit3A_447 = arith.constant 1 : i32
    %jit3A_448 = arith.constant 0 : i32
    %broadcast_in_dim3A_449 = vector.broadcast %jit3A_447 : i32 to vector<16xi32>
    %broadcast_in_dim3A_450 = vector.broadcast %jit3A_448 : i32 to vector<16xi32>
    %select_n3A_451 = arith.select %or3A_446, %broadcast_in_dim3A_449, %broadcast_in_dim3A_450 : vector<16xi1>, vector<16xi32>
    %add3A_452 = arith.addi %add3A_436, %select_n3A_451 : vector<16xi32>
    %slice3A_453 = vector.extract_strided_slice %get3A_274 {offsets = [11], sizes = [1], strides = [1]} : vector<16xf32> to vector<1xf32>
    %squeeze3A_454 = vector.extract %slice3A_453[0] : f32 from vector<1xf32>
    %broadcast_in_dim3A_455 = vector.broadcast %squeeze3A_454 : f32 to vector<16xf32>
    %lt3A_456 = arith.cmpf olt, %broadcast_in_dim3A_455, %get3A_274 : vector<16xf32>
    %eq3A_457 = arith.cmpf oeq, %broadcast_in_dim3A_455, %get3A_274 : vector<16xf32>
    %gt3A_458 = arith.constant 11 : i32
    %gt3A_459 = vector.broadcast %gt3A_458 : i32 to vector<16xi32>
    %gt3A_460 = arith.cmpi sgt, %iota3A, %gt3A_459 : vector<16xi32>
    %and3A_461 = arith.andi %eq3A_457, %gt3A_460 : vector<16xi1>
    %or3A_462 = arith.ori %lt3A_456, %and3A_461 : vector<16xi1>
    %jit3A_463 = arith.constant 1 : i32
    %jit3A_464 = arith.constant 0 : i32
    %broadcast_in_dim3A_465 = vector.broadcast %jit3A_463 : i32 to vector<16xi32>
    %broadcast_in_dim3A_466 = vector.broadcast %jit3A_464 : i32 to vector<16xi32>
    %select_n3A_467 = arith.select %or3A_462, %broadcast_in_dim3A_465, %broadcast_in_dim3A_466 : vector<16xi1>, vector<16xi32>
    %add3A_468 = arith.addi %add3A_452, %select_n3A_467 : vector<16xi32>
    %slice3A_469 = vector.extract_strided_slice %get3A_274 {offsets = [12], sizes = [1], strides = [1]} : vector<16xf32> to vector<1xf32>
    %squeeze3A_470 = vector.extract %slice3A_469[0] : f32 from vector<1xf32>
    %broadcast_in_dim3A_471 = vector.broadcast %squeeze3A_470 : f32 to vector<16xf32>
    %lt3A_472 = arith.cmpf olt, %broadcast_in_dim3A_471, %get3A_274 : vector<16xf32>
    %eq3A_473 = arith.cmpf oeq, %broadcast_in_dim3A_471, %get3A_274 : vector<16xf32>
    %gt3A_474 = arith.constant 12 : i32
    %gt3A_475 = vector.broadcast %gt3A_474 : i32 to vector<16xi32>
    %gt3A_476 = arith.cmpi sgt, %iota3A, %gt3A_475 : vector<16xi32>
    %and3A_477 = arith.andi %eq3A_473, %gt3A_476 : vector<16xi1>
    %or3A_478 = arith.ori %lt3A_472, %and3A_477 : vector<16xi1>
    %jit3A_479 = arith.constant 1 : i32
    %jit3A_480 = arith.constant 0 : i32
    %broadcast_in_dim3A_481 = vector.broadcast %jit3A_479 : i32 to vector<16xi32>
    %broadcast_in_dim3A_482 = vector.broadcast %jit3A_480 : i32 to vector<16xi32>
    %select_n3A_483 = arith.select %or3A_478, %broadcast_in_dim3A_481, %broadcast_in_dim3A_482 : vector<16xi1>, vector<16xi32>
    %add3A_484 = arith.addi %add3A_468, %select_n3A_483 : vector<16xi32>
    %slice3A_485 = vector.extract_strided_slice %get3A_274 {offsets = [13], sizes = [1], strides = [1]} : vector<16xf32> to vector<1xf32>
    %squeeze3A_486 = vector.extract %slice3A_485[0] : f32 from vector<1xf32>
    %broadcast_in_dim3A_487 = vector.broadcast %squeeze3A_486 : f32 to vector<16xf32>
    %lt3A_488 = arith.cmpf olt, %broadcast_in_dim3A_487, %get3A_274 : vector<16xf32>
    %eq3A_489 = arith.cmpf oeq, %broadcast_in_dim3A_487, %get3A_274 : vector<16xf32>
    %gt3A_490 = arith.constant 13 : i32
    %gt3A_491 = vector.broadcast %gt3A_490 : i32 to vector<16xi32>
    %gt3A_492 = arith.cmpi sgt, %iota3A, %gt3A_491 : vector<16xi32>
    %and3A_493 = arith.andi %eq3A_489, %gt3A_492 : vector<16xi1>
    %or3A_494 = arith.ori %lt3A_488, %and3A_493 : vector<16xi1>
    %jit3A_495 = arith.constant 1 : i32
    %jit3A_496 = arith.constant 0 : i32
    %broadcast_in_dim3A_497 = vector.broadcast %jit3A_495 : i32 to vector<16xi32>
    %broadcast_in_dim3A_498 = vector.broadcast %jit3A_496 : i32 to vector<16xi32>
    %select_n3A_499 = arith.select %or3A_494, %broadcast_in_dim3A_497, %broadcast_in_dim3A_498 : vector<16xi1>, vector<16xi32>
    %add3A_500 = arith.addi %add3A_484, %select_n3A_499 : vector<16xi32>
    %slice3A_501 = vector.extract_strided_slice %get3A_274 {offsets = [14], sizes = [1], strides = [1]} : vector<16xf32> to vector<1xf32>
    %squeeze3A_502 = vector.extract %slice3A_501[0] : f32 from vector<1xf32>
    %broadcast_in_dim3A_503 = vector.broadcast %squeeze3A_502 : f32 to vector<16xf32>
    %lt3A_504 = arith.cmpf olt, %broadcast_in_dim3A_503, %get3A_274 : vector<16xf32>
    %eq3A_505 = arith.cmpf oeq, %broadcast_in_dim3A_503, %get3A_274 : vector<16xf32>
    %gt3A_506 = arith.constant 14 : i32
    %gt3A_507 = vector.broadcast %gt3A_506 : i32 to vector<16xi32>
    %gt3A_508 = arith.cmpi sgt, %iota3A, %gt3A_507 : vector<16xi32>
    %and3A_509 = arith.andi %eq3A_505, %gt3A_508 : vector<16xi1>
    %or3A_510 = arith.ori %lt3A_504, %and3A_509 : vector<16xi1>
    %jit3A_511 = arith.constant 1 : i32
    %jit3A_512 = arith.constant 0 : i32
    %broadcast_in_dim3A_513 = vector.broadcast %jit3A_511 : i32 to vector<16xi32>
    %broadcast_in_dim3A_514 = vector.broadcast %jit3A_512 : i32 to vector<16xi32>
    %select_n3A_515 = arith.select %or3A_510, %broadcast_in_dim3A_513, %broadcast_in_dim3A_514 : vector<16xi1>, vector<16xi32>
    %add3A_516 = arith.addi %add3A_500, %select_n3A_515 : vector<16xi32>
    %slice3A_517 = vector.extract_strided_slice %get3A_274 {offsets = [15], sizes = [1], strides = [1]} : vector<16xf32> to vector<1xf32>
    %squeeze3A_518 = vector.extract %slice3A_517[0] : f32 from vector<1xf32>
    %broadcast_in_dim3A_519 = vector.broadcast %squeeze3A_518 : f32 to vector<16xf32>
    %lt3A_520 = arith.cmpf olt, %broadcast_in_dim3A_519, %get3A_274 : vector<16xf32>
    %eq3A_521 = arith.cmpf oeq, %broadcast_in_dim3A_519, %get3A_274 : vector<16xf32>
    %gt3A_522 = arith.constant 15 : i32
    %gt3A_523 = vector.broadcast %gt3A_522 : i32 to vector<16xi32>
    %gt3A_524 = arith.cmpi sgt, %iota3A, %gt3A_523 : vector<16xi32>
    %and3A_525 = arith.andi %eq3A_521, %gt3A_524 : vector<16xi1>
    %or3A_526 = arith.ori %lt3A_520, %and3A_525 : vector<16xi1>
    %jit3A_527 = arith.constant 1 : i32
    %jit3A_528 = arith.constant 0 : i32
    %broadcast_in_dim3A_529 = vector.broadcast %jit3A_527 : i32 to vector<16xi32>
    %broadcast_in_dim3A_530 = vector.broadcast %jit3A_528 : i32 to vector<16xi32>
    %select_n3A_531 = arith.select %or3A_526, %broadcast_in_dim3A_529, %broadcast_in_dim3A_530 : vector<16xi1>, vector<16xi32>
    %add3A_532 = arith.addi %add3A_516, %select_n3A_531 : vector<16xi32>
    %mul3A_533 = arith.constant 4 : i32
    %mul3A_534 = arith.muli %add3A, %mul3A_533 : i32
    %add3A_535 = arith.constant 1 : i32
    %add3A_536 = arith.addi %mul3A_534, %add3A_535 : i32
    %lt3A_537 = arith.constant 8 : i32
    %lt3A_538 = vector.broadcast %lt3A_537 : i32 to vector<16xi32>
    %lt3A_539 = arith.cmpi slt, %add3A_532, %lt3A_538 : vector<16xi32>
    %mul3A_540 = arith.constant 8 : i32
    %mul3A_541 = arith.muli %add3A_536, %mul3A_540 : i32
    %add3A_542 = vector.broadcast %mul3A_541 : i32 to vector<16xi32>
    %add3A_543 = arith.addi %add3A_542, %add3A_532 : vector<16xi32>
    %jit3A_544 = arith.constant -1 : i32
    %broadcast_in_dim3A_545 = vector.broadcast %jit3A_544 : i32 to vector<16xi32>
    %select_n3A_546 = arith.select %lt3A_539, %add3A_543, %broadcast_in_dim3A_545 : vector<16xi1>, vector<16xi32>
    %convert_element_type3A_547 = arith.sitofp %select_n3A_546 : vector<16xi32> to vector<16xf32>
    %swap3A_548 = arith.constant 16 : index
    %swap3A_549 = tpu.vector_load %arg5[%swap3A_548] {strides = array<i32>} : memref<64xf32, #tpu.memory_space<vmem>>, vector<16xf32>,
    %swap3A_550 = vector.shape_cast %swap3A_549 : vector<16xf32> to vector<16xf32>
    %swap3A_551 = vector.shape_cast %convert_element_type3A_547 : vector<16xf32> to vector<16xf32>
    tpu.vector_store %arg5[%swap3A_548], %swap3A_551 {strides = array<i32>} : memref<64xf32, #tpu.memory_space<vmem>>, vector<16xf32>,
    %get3A_552 = arith.constant 32 : index
    %get3A_553 = tpu.vector_load %arg4[%get3A_552] {strides = array<i32>} : memref<64xf32, #tpu.memory_space<vmem>>, vector<16xf32>,
    %get3A_554 = vector.shape_cast %get3A_553 : vector<16xf32> to vector<16xf32>
    %broadcast_in_dim3A_555 = arith.constant 0 : i32
    %broadcast_in_dim3A_556 = vector.broadcast %broadcast_in_dim3A_555 : i32 to vector<16xi32>
    %slice3A_557 = vector.extract_strided_slice %get3A_554 {offsets = [0], sizes = [1], strides = [1]} : vector<16xf32> to vector<1xf32>
    %squeeze3A_558 = vector.extract %slice3A_557[0] : f32 from vector<1xf32>
    %broadcast_in_dim3A_559 = vector.broadcast %squeeze3A_558 : f32 to vector<16xf32>
    %lt3A_560 = arith.cmpf olt, %broadcast_in_dim3A_559, %get3A_554 : vector<16xf32>
    %eq3A_561 = arith.cmpf oeq, %broadcast_in_dim3A_559, %get3A_554 : vector<16xf32>
    %gt3A_562 = arith.constant 0 : i32
    %gt3A_563 = vector.broadcast %gt3A_562 : i32 to vector<16xi32>
    %gt3A_564 = arith.cmpi sgt, %iota3A, %gt3A_563 : vector<16xi32>
    %and3A_565 = arith.andi %eq3A_561, %gt3A_564 : vector<16xi1>
    %or3A_566 = arith.ori %lt3A_560, %and3A_565 : vector<16xi1>
    %jit3A_567 = arith.constant 1 : i32
    %jit3A_568 = arith.constant 0 : i32
    %broadcast_in_dim3A_569 = vector.broadcast %jit3A_567 : i32 to vector<16xi32>
    %broadcast_in_dim3A_570 = vector.broadcast %jit3A_568 : i32 to vector<16xi32>
    %select_n3A_571 = arith.select %or3A_566, %broadcast_in_dim3A_569, %broadcast_in_dim3A_570 : vector<16xi1>, vector<16xi32>
    %add3A_572 = arith.addi %broadcast_in_dim3A_556, %select_n3A_571 : vector<16xi32>
    %slice3A_573 = vector.extract_strided_slice %get3A_554 {offsets = [1], sizes = [1], strides = [1]} : vector<16xf32> to vector<1xf32>
    %squeeze3A_574 = vector.extract %slice3A_573[0] : f32 from vector<1xf32>
    %broadcast_in_dim3A_575 = vector.broadcast %squeeze3A_574 : f32 to vector<16xf32>
    %lt3A_576 = arith.cmpf olt, %broadcast_in_dim3A_575, %get3A_554 : vector<16xf32>
    %eq3A_577 = arith.cmpf oeq, %broadcast_in_dim3A_575, %get3A_554 : vector<16xf32>
    %gt3A_578 = arith.constant 1 : i32
    %gt3A_579 = vector.broadcast %gt3A_578 : i32 to vector<16xi32>
    %gt3A_580 = arith.cmpi sgt, %iota3A, %gt3A_579 : vector<16xi32>
    %and3A_581 = arith.andi %eq3A_577, %gt3A_580 : vector<16xi1>
    %or3A_582 = arith.ori %lt3A_576, %and3A_581 : vector<16xi1>
    %jit3A_583 = arith.constant 1 : i32
    %jit3A_584 = arith.constant 0 : i32
    %broadcast_in_dim3A_585 = vector.broadcast %jit3A_583 : i32 to vector<16xi32>
    %broadcast_in_dim3A_586 = vector.broadcast %jit3A_584 : i32 to vector<16xi32>
    %select_n3A_587 = arith.select %or3A_582, %broadcast_in_dim3A_585, %broadcast_in_dim3A_586 : vector<16xi1>, vector<16xi32>
    %add3A_588 = arith.addi %add3A_572, %select_n3A_587 : vector<16xi32>
    %slice3A_589 = vector.extract_strided_slice %get3A_554 {offsets = [2], sizes = [1], strides = [1]} : vector<16xf32> to vector<1xf32>
    %squeeze3A_590 = vector.extract %slice3A_589[0] : f32 from vector<1xf32>
    %broadcast_in_dim3A_591 = vector.broadcast %squeeze3A_590 : f32 to vector<16xf32>
    %lt3A_592 = arith.cmpf olt, %broadcast_in_dim3A_591, %get3A_554 : vector<16xf32>
    %eq3A_593 = arith.cmpf oeq, %broadcast_in_dim3A_591, %get3A_554 : vector<16xf32>
    %gt3A_594 = arith.constant 2 : i32
    %gt3A_595 = vector.broadcast %gt3A_594 : i32 to vector<16xi32>
    %gt3A_596 = arith.cmpi sgt, %iota3A, %gt3A_595 : vector<16xi32>
    %and3A_597 = arith.andi %eq3A_593, %gt3A_596 : vector<16xi1>
    %or3A_598 = arith.ori %lt3A_592, %and3A_597 : vector<16xi1>
    %jit3A_599 = arith.constant 1 : i32
    %jit3A_600 = arith.constant 0 : i32
    %broadcast_in_dim3A_601 = vector.broadcast %jit3A_599 : i32 to vector<16xi32>
    %broadcast_in_dim3A_602 = vector.broadcast %jit3A_600 : i32 to vector<16xi32>
    %select_n3A_603 = arith.select %or3A_598, %broadcast_in_dim3A_601, %broadcast_in_dim3A_602 : vector<16xi1>, vector<16xi32>
    %add3A_604 = arith.addi %add3A_588, %select_n3A_603 : vector<16xi32>
    %slice3A_605 = vector.extract_strided_slice %get3A_554 {offsets = [3], sizes = [1], strides = [1]} : vector<16xf32> to vector<1xf32>
    %squeeze3A_606 = vector.extract %slice3A_605[0] : f32 from vector<1xf32>
    %broadcast_in_dim3A_607 = vector.broadcast %squeeze3A_606 : f32 to vector<16xf32>
    %lt3A_608 = arith.cmpf olt, %broadcast_in_dim3A_607, %get3A_554 : vector<16xf32>
    %eq3A_609 = arith.cmpf oeq, %broadcast_in_dim3A_607, %get3A_554 : vector<16xf32>
    %gt3A_610 = arith.constant 3 : i32
    %gt3A_611 = vector.broadcast %gt3A_610 : i32 to vector<16xi32>
    %gt3A_612 = arith.cmpi sgt, %iota3A, %gt3A_611 : vector<16xi32>
    %and3A_613 = arith.andi %eq3A_609, %gt3A_612 : vector<16xi1>
    %or3A_614 = arith.ori %lt3A_608, %and3A_613 : vector<16xi1>
    %jit3A_615 = arith.constant 1 : i32
    %jit3A_616 = arith.constant 0 : i32
    %broadcast_in_dim3A_617 = vector.broadcast %jit3A_615 : i32 to vector<16xi32>
    %broadcast_in_dim3A_618 = vector.broadcast %jit3A_616 : i32 to vector<16xi32>
    %select_n3A_619 = arith.select %or3A_614, %broadcast_in_dim3A_617, %broadcast_in_dim3A_618 : vector<16xi1>, vector<16xi32>
    %add3A_620 = arith.addi %add3A_604, %select_n3A_619 : vector<16xi32>
    %slice3A_621 = vector.extract_strided_slice %get3A_554 {offsets = [4], sizes = [1], strides = [1]} : vector<16xf32> to vector<1xf32>
    %squeeze3A_622 = vector.extract %slice3A_621[0] : f32 from vector<1xf32>
    %broadcast_in_dim3A_623 = vector.broadcast %squeeze3A_622 : f32 to vector<16xf32>
    %lt3A_624 = arith.cmpf olt, %broadcast_in_dim3A_623, %get3A_554 : vector<16xf32>
    %eq3A_625 = arith.cmpf oeq, %broadcast_in_dim3A_623, %get3A_554 : vector<16xf32>
    %gt3A_626 = arith.constant 4 : i32
    %gt3A_627 = vector.broadcast %gt3A_626 : i32 to vector<16xi32>
    %gt3A_628 = arith.cmpi sgt, %iota3A, %gt3A_627 : vector<16xi32>
    %and3A_629 = arith.andi %eq3A_625, %gt3A_628 : vector<16xi1>
    %or3A_630 = arith.ori %lt3A_624, %and3A_629 : vector<16xi1>
    %jit3A_631 = arith.constant 1 : i32
    %jit3A_632 = arith.constant 0 : i32
    %broadcast_in_dim3A_633 = vector.broadcast %jit3A_631 : i32 to vector<16xi32>
    %broadcast_in_dim3A_634 = vector.broadcast %jit3A_632 : i32 to vector<16xi32>
    %select_n3A_635 = arith.select %or3A_630, %broadcast_in_dim3A_633, %broadcast_in_dim3A_634 : vector<16xi1>, vector<16xi32>
    %add3A_636 = arith.addi %add3A_620, %select_n3A_635 : vector<16xi32>
    %slice3A_637 = vector.extract_strided_slice %get3A_554 {offsets = [5], sizes = [1], strides = [1]} : vector<16xf32> to vector<1xf32>
    %squeeze3A_638 = vector.extract %slice3A_637[0] : f32 from vector<1xf32>
    %broadcast_in_dim3A_639 = vector.broadcast %squeeze3A_638 : f32 to vector<16xf32>
    %lt3A_640 = arith.cmpf olt, %broadcast_in_dim3A_639, %get3A_554 : vector<16xf32>
    %eq3A_641 = arith.cmpf oeq, %broadcast_in_dim3A_639, %get3A_554 : vector<16xf32>
    %gt3A_642 = arith.constant 5 : i32
    %gt3A_643 = vector.broadcast %gt3A_642 : i32 to vector<16xi32>
    %gt3A_644 = arith.cmpi sgt, %iota3A, %gt3A_643 : vector<16xi32>
    %and3A_645 = arith.andi %eq3A_641, %gt3A_644 : vector<16xi1>
    %or3A_646 = arith.ori %lt3A_640, %and3A_645 : vector<16xi1>
    %jit3A_647 = arith.constant 1 : i32
    %jit3A_648 = arith.constant 0 : i32
    %broadcast_in_dim3A_649 = vector.broadcast %jit3A_647 : i32 to vector<16xi32>
    %broadcast_in_dim3A_650 = vector.broadcast %jit3A_648 : i32 to vector<16xi32>
    %select_n3A_651 = arith.select %or3A_646, %broadcast_in_dim3A_649, %broadcast_in_dim3A_650 : vector<16xi1>, vector<16xi32>
    %add3A_652 = arith.addi %add3A_636, %select_n3A_651 : vector<16xi32>
    %slice3A_653 = vector.extract_strided_slice %get3A_554 {offsets = [6], sizes = [1], strides = [1]} : vector<16xf32> to vector<1xf32>
    %squeeze3A_654 = vector.extract %slice3A_653[0] : f32 from vector<1xf32>
    %broadcast_in_dim3A_655 = vector.broadcast %squeeze3A_654 : f32 to vector<16xf32>
    %lt3A_656 = arith.cmpf olt, %broadcast_in_dim3A_655, %get3A_554 : vector<16xf32>
    %eq3A_657 = arith.cmpf oeq, %broadcast_in_dim3A_655, %get3A_554 : vector<16xf32>
    %gt3A_658 = arith.constant 6 : i32
    %gt3A_659 = vector.broadcast %gt3A_658 : i32 to vector<16xi32>
    %gt3A_660 = arith.cmpi sgt, %iota3A, %gt3A_659 : vector<16xi32>
    %and3A_661 = arith.andi %eq3A_657, %gt3A_660 : vector<16xi1>
    %or3A_662 = arith.ori %lt3A_656, %and3A_661 : vector<16xi1>
    %jit3A_663 = arith.constant 1 : i32
    %jit3A_664 = arith.constant 0 : i32
    %broadcast_in_dim3A_665 = vector.broadcast %jit3A_663 : i32 to vector<16xi32>
    %broadcast_in_dim3A_666 = vector.broadcast %jit3A_664 : i32 to vector<16xi32>
    %select_n3A_667 = arith.select %or3A_662, %broadcast_in_dim3A_665, %broadcast_in_dim3A_666 : vector<16xi1>, vector<16xi32>
    %add3A_668 = arith.addi %add3A_652, %select_n3A_667 : vector<16xi32>
    %slice3A_669 = vector.extract_strided_slice %get3A_554 {offsets = [7], sizes = [1], strides = [1]} : vector<16xf32> to vector<1xf32>
    %squeeze3A_670 = vector.extract %slice3A_669[0] : f32 from vector<1xf32>
    %broadcast_in_dim3A_671 = vector.broadcast %squeeze3A_670 : f32 to vector<16xf32>
    %lt3A_672 = arith.cmpf olt, %broadcast_in_dim3A_671, %get3A_554 : vector<16xf32>
    %eq3A_673 = arith.cmpf oeq, %broadcast_in_dim3A_671, %get3A_554 : vector<16xf32>
    %gt3A_674 = arith.constant 7 : i32
    %gt3A_675 = vector.broadcast %gt3A_674 : i32 to vector<16xi32>
    %gt3A_676 = arith.cmpi sgt, %iota3A, %gt3A_675 : vector<16xi32>
    %and3A_677 = arith.andi %eq3A_673, %gt3A_676 : vector<16xi1>
    %or3A_678 = arith.ori %lt3A_672, %and3A_677 : vector<16xi1>
    %jit3A_679 = arith.constant 1 : i32
    %jit3A_680 = arith.constant 0 : i32
    %broadcast_in_dim3A_681 = vector.broadcast %jit3A_679 : i32 to vector<16xi32>
    %broadcast_in_dim3A_682 = vector.broadcast %jit3A_680 : i32 to vector<16xi32>
    %select_n3A_683 = arith.select %or3A_678, %broadcast_in_dim3A_681, %broadcast_in_dim3A_682 : vector<16xi1>, vector<16xi32>
    %add3A_684 = arith.addi %add3A_668, %select_n3A_683 : vector<16xi32>
    %slice3A_685 = vector.extract_strided_slice %get3A_554 {offsets = [8], sizes = [1], strides = [1]} : vector<16xf32> to vector<1xf32>
    %squeeze3A_686 = vector.extract %slice3A_685[0] : f32 from vector<1xf32>
    %broadcast_in_dim3A_687 = vector.broadcast %squeeze3A_686 : f32 to vector<16xf32>
    %lt3A_688 = arith.cmpf olt, %broadcast_in_dim3A_687, %get3A_554 : vector<16xf32>
    %eq3A_689 = arith.cmpf oeq, %broadcast_in_dim3A_687, %get3A_554 : vector<16xf32>
    %gt3A_690 = arith.constant 8 : i32
    %gt3A_691 = vector.broadcast %gt3A_690 : i32 to vector<16xi32>
    %gt3A_692 = arith.cmpi sgt, %iota3A, %gt3A_691 : vector<16xi32>
    %and3A_693 = arith.andi %eq3A_689, %gt3A_692 : vector<16xi1>
    %or3A_694 = arith.ori %lt3A_688, %and3A_693 : vector<16xi1>
    %jit3A_695 = arith.constant 1 : i32
    %jit3A_696 = arith.constant 0 : i32
    %broadcast_in_dim3A_697 = vector.broadcast %jit3A_695 : i32 to vector<16xi32>
    %broadcast_in_dim3A_698 = vector.broadcast %jit3A_696 : i32 to vector<16xi32>
    %select_n3A_699 = arith.select %or3A_694, %broadcast_in_dim3A_697, %broadcast_in_dim3A_698 : vector<16xi1>, vector<16xi32>
    %add3A_700 = arith.addi %add3A_684, %select_n3A_699 : vector<16xi32>
    %slice3A_701 = vector.extract_strided_slice %get3A_554 {offsets = [9], sizes = [1], strides = [1]} : vector<16xf32> to vector<1xf32>
    %squeeze3A_702 = vector.extract %slice3A_701[0] : f32 from vector<1xf32>
    %broadcast_in_dim3A_703 = vector.broadcast %squeeze3A_702 : f32 to vector<16xf32>
    %lt3A_704 = arith.cmpf olt, %broadcast_in_dim3A_703, %get3A_554 : vector<16xf32>
    %eq3A_705 = arith.cmpf oeq, %broadcast_in_dim3A_703, %get3A_554 : vector<16xf32>
    %gt3A_706 = arith.constant 9 : i32
    %gt3A_707 = vector.broadcast %gt3A_706 : i32 to vector<16xi32>
    %gt3A_708 = arith.cmpi sgt, %iota3A, %gt3A_707 : vector<16xi32>
    %and3A_709 = arith.andi %eq3A_705, %gt3A_708 : vector<16xi1>
    %or3A_710 = arith.ori %lt3A_704, %and3A_709 : vector<16xi1>
    %jit3A_711 = arith.constant 1 : i32
    %jit3A_712 = arith.constant 0 : i32
    %broadcast_in_dim3A_713 = vector.broadcast %jit3A_711 : i32 to vector<16xi32>
    %broadcast_in_dim3A_714 = vector.broadcast %jit3A_712 : i32 to vector<16xi32>
    %select_n3A_715 = arith.select %or3A_710, %broadcast_in_dim3A_713, %broadcast_in_dim3A_714 : vector<16xi1>, vector<16xi32>
    %add3A_716 = arith.addi %add3A_700, %select_n3A_715 : vector<16xi32>
    %slice3A_717 = vector.extract_strided_slice %get3A_554 {offsets = [10], sizes = [1], strides = [1]} : vector<16xf32> to vector<1xf32>
    %squeeze3A_718 = vector.extract %slice3A_717[0] : f32 from vector<1xf32>
    %broadcast_in_dim3A_719 = vector.broadcast %squeeze3A_718 : f32 to vector<16xf32>
    %lt3A_720 = arith.cmpf olt, %broadcast_in_dim3A_719, %get3A_554 : vector<16xf32>
    %eq3A_721 = arith.cmpf oeq, %broadcast_in_dim3A_719, %get3A_554 : vector<16xf32>
    %gt3A_722 = arith.constant 10 : i32
    %gt3A_723 = vector.broadcast %gt3A_722 : i32 to vector<16xi32>
    %gt3A_724 = arith.cmpi sgt, %iota3A, %gt3A_723 : vector<16xi32>
    %and3A_725 = arith.andi %eq3A_721, %gt3A_724 : vector<16xi1>
    %or3A_726 = arith.ori %lt3A_720, %and3A_725 : vector<16xi1>
    %jit3A_727 = arith.constant 1 : i32
    %jit3A_728 = arith.constant 0 : i32
    %broadcast_in_dim3A_729 = vector.broadcast %jit3A_727 : i32 to vector<16xi32>
    %broadcast_in_dim3A_730 = vector.broadcast %jit3A_728 : i32 to vector<16xi32>
    %select_n3A_731 = arith.select %or3A_726, %broadcast_in_dim3A_729, %broadcast_in_dim3A_730 : vector<16xi1>, vector<16xi32>
    %add3A_732 = arith.addi %add3A_716, %select_n3A_731 : vector<16xi32>
    %slice3A_733 = vector.extract_strided_slice %get3A_554 {offsets = [11], sizes = [1], strides = [1]} : vector<16xf32> to vector<1xf32>
    %squeeze3A_734 = vector.extract %slice3A_733[0] : f32 from vector<1xf32>
    %broadcast_in_dim3A_735 = vector.broadcast %squeeze3A_734 : f32 to vector<16xf32>
    %lt3A_736 = arith.cmpf olt, %broadcast_in_dim3A_735, %get3A_554 : vector<16xf32>
    %eq3A_737 = arith.cmpf oeq, %broadcast_in_dim3A_735, %get3A_554 : vector<16xf32>
    %gt3A_738 = arith.constant 11 : i32
    %gt3A_739 = vector.broadcast %gt3A_738 : i32 to vector<16xi32>
    %gt3A_740 = arith.cmpi sgt, %iota3A, %gt3A_739 : vector<16xi32>
    %and3A_741 = arith.andi %eq3A_737, %gt3A_740 : vector<16xi1>
    %or3A_742 = arith.ori %lt3A_736, %and3A_741 : vector<16xi1>
    %jit3A_743 = arith.constant 1 : i32
    %jit3A_744 = arith.constant 0 : i32
    %broadcast_in_dim3A_745 = vector.broadcast %jit3A_743 : i32 to vector<16xi32>
    %broadcast_in_dim3A_746 = vector.broadcast %jit3A_744 : i32 to vector<16xi32>
    %select_n3A_747 = arith.select %or3A_742, %broadcast_in_dim3A_745, %broadcast_in_dim3A_746 : vector<16xi1>, vector<16xi32>
    %add3A_748 = arith.addi %add3A_732, %select_n3A_747 : vector<16xi32>
    %slice3A_749 = vector.extract_strided_slice %get3A_554 {offsets = [12], sizes = [1], strides = [1]} : vector<16xf32> to vector<1xf32>
    %squeeze3A_750 = vector.extract %slice3A_749[0] : f32 from vector<1xf32>
    %broadcast_in_dim3A_751 = vector.broadcast %squeeze3A_750 : f32 to vector<16xf32>
    %lt3A_752 = arith.cmpf olt, %broadcast_in_dim3A_751, %get3A_554 : vector<16xf32>
    %eq3A_753 = arith.cmpf oeq, %broadcast_in_dim3A_751, %get3A_554 : vector<16xf32>
    %gt3A_754 = arith.constant 12 : i32
    %gt3A_755 = vector.broadcast %gt3A_754 : i32 to vector<16xi32>
    %gt3A_756 = arith.cmpi sgt, %iota3A, %gt3A_755 : vector<16xi32>
    %and3A_757 = arith.andi %eq3A_753, %gt3A_756 : vector<16xi1>
    %or3A_758 = arith.ori %lt3A_752, %and3A_757 : vector<16xi1>
    %jit3A_759 = arith.constant 1 : i32
    %jit3A_760 = arith.constant 0 : i32
    %broadcast_in_dim3A_761 = vector.broadcast %jit3A_759 : i32 to vector<16xi32>
    %broadcast_in_dim3A_762 = vector.broadcast %jit3A_760 : i32 to vector<16xi32>
    %select_n3A_763 = arith.select %or3A_758, %broadcast_in_dim3A_761, %broadcast_in_dim3A_762 : vector<16xi1>, vector<16xi32>
    %add3A_764 = arith.addi %add3A_748, %select_n3A_763 : vector<16xi32>
    %slice3A_765 = vector.extract_strided_slice %get3A_554 {offsets = [13], sizes = [1], strides = [1]} : vector<16xf32> to vector<1xf32>
    %squeeze3A_766 = vector.extract %slice3A_765[0] : f32 from vector<1xf32>
    %broadcast_in_dim3A_767 = vector.broadcast %squeeze3A_766 : f32 to vector<16xf32>
    %lt3A_768 = arith.cmpf olt, %broadcast_in_dim3A_767, %get3A_554 : vector<16xf32>
    %eq3A_769 = arith.cmpf oeq, %broadcast_in_dim3A_767, %get3A_554 : vector<16xf32>
    %gt3A_770 = arith.constant 13 : i32
    %gt3A_771 = vector.broadcast %gt3A_770 : i32 to vector<16xi32>
    %gt3A_772 = arith.cmpi sgt, %iota3A, %gt3A_771 : vector<16xi32>
    %and3A_773 = arith.andi %eq3A_769, %gt3A_772 : vector<16xi1>
    %or3A_774 = arith.ori %lt3A_768, %and3A_773 : vector<16xi1>
    %jit3A_775 = arith.constant 1 : i32
    %jit3A_776 = arith.constant 0 : i32
    %broadcast_in_dim3A_777 = vector.broadcast %jit3A_775 : i32 to vector<16xi32>
    %broadcast_in_dim3A_778 = vector.broadcast %jit3A_776 : i32 to vector<16xi32>
    %select_n3A_779 = arith.select %or3A_774, %broadcast_in_dim3A_777, %broadcast_in_dim3A_778 : vector<16xi1>, vector<16xi32>
    %add3A_780 = arith.addi %add3A_764, %select_n3A_779 : vector<16xi32>
    %slice3A_781 = vector.extract_strided_slice %get3A_554 {offsets = [14], sizes = [1], strides = [1]} : vector<16xf32> to vector<1xf32>
    %squeeze3A_782 = vector.extract %slice3A_781[0] : f32 from vector<1xf32>
    %broadcast_in_dim3A_783 = vector.broadcast %squeeze3A_782 : f32 to vector<16xf32>
    %lt3A_784 = arith.cmpf olt, %broadcast_in_dim3A_783, %get3A_554 : vector<16xf32>
    %eq3A_785 = arith.cmpf oeq, %broadcast_in_dim3A_783, %get3A_554 : vector<16xf32>
    %gt3A_786 = arith.constant 14 : i32
    %gt3A_787 = vector.broadcast %gt3A_786 : i32 to vector<16xi32>
    %gt3A_788 = arith.cmpi sgt, %iota3A, %gt3A_787 : vector<16xi32>
    %and3A_789 = arith.andi %eq3A_785, %gt3A_788 : vector<16xi1>
    %or3A_790 = arith.ori %lt3A_784, %and3A_789 : vector<16xi1>
    %jit3A_791 = arith.constant 1 : i32
    %jit3A_792 = arith.constant 0 : i32
    %broadcast_in_dim3A_793 = vector.broadcast %jit3A_791 : i32 to vector<16xi32>
    %broadcast_in_dim3A_794 = vector.broadcast %jit3A_792 : i32 to vector<16xi32>
    %select_n3A_795 = arith.select %or3A_790, %broadcast_in_dim3A_793, %broadcast_in_dim3A_794 : vector<16xi1>, vector<16xi32>
    %add3A_796 = arith.addi %add3A_780, %select_n3A_795 : vector<16xi32>
    %slice3A_797 = vector.extract_strided_slice %get3A_554 {offsets = [15], sizes = [1], strides = [1]} : vector<16xf32> to vector<1xf32>
    %squeeze3A_798 = vector.extract %slice3A_797[0] : f32 from vector<1xf32>
    %broadcast_in_dim3A_799 = vector.broadcast %squeeze3A_798 : f32 to vector<16xf32>
    %lt3A_800 = arith.cmpf olt, %broadcast_in_dim3A_799, %get3A_554 : vector<16xf32>
    %eq3A_801 = arith.cmpf oeq, %broadcast_in_dim3A_799, %get3A_554 : vector<16xf32>
    %gt3A_802 = arith.constant 15 : i32
    %gt3A_803 = vector.broadcast %gt3A_802 : i32 to vector<16xi32>
    %gt3A_804 = arith.cmpi sgt, %iota3A, %gt3A_803 : vector<16xi32>
    %and3A_805 = arith.andi %eq3A_801, %gt3A_804 : vector<16xi1>
    %or3A_806 = arith.ori %lt3A_800, %and3A_805 : vector<16xi1>
    %jit3A_807 = arith.constant 1 : i32
    %jit3A_808 = arith.constant 0 : i32
    %broadcast_in_dim3A_809 = vector.broadcast %jit3A_807 : i32 to vector<16xi32>
    %broadcast_in_dim3A_810 = vector.broadcast %jit3A_808 : i32 to vector<16xi32>
    %select_n3A_811 = arith.select %or3A_806, %broadcast_in_dim3A_809, %broadcast_in_dim3A_810 : vector<16xi1>, vector<16xi32>
    %add3A_812 = arith.addi %add3A_796, %select_n3A_811 : vector<16xi32>
    %mul3A_813 = arith.constant 4 : i32
    %mul3A_814 = arith.muli %add3A, %mul3A_813 : i32
    %add3A_815 = arith.constant 2 : i32
    %add3A_816 = arith.addi %mul3A_814, %add3A_815 : i32
    %lt3A_817 = arith.constant 8 : i32
    %lt3A_818 = vector.broadcast %lt3A_817 : i32 to vector<16xi32>
    %lt3A_819 = arith.cmpi slt, %add3A_812, %lt3A_818 : vector<16xi32>
    %mul3A_820 = arith.constant 8 : i32
    %mul3A_821 = arith.muli %add3A_816, %mul3A_820 : i32
    %add3A_822 = vector.broadcast %mul3A_821 : i32 to vector<16xi32>
    %add3A_823 = arith.addi %add3A_822, %add3A_812 : vector<16xi32>
    %jit3A_824 = arith.constant -1 : i32
    %broadcast_in_dim3A_825 = vector.broadcast %jit3A_824 : i32 to vector<16xi32>
    %select_n3A_826 = arith.select %lt3A_819, %add3A_823, %broadcast_in_dim3A_825 : vector<16xi1>, vector<16xi32>
    %convert_element_type3A_827 = arith.sitofp %select_n3A_826 : vector<16xi32> to vector<16xf32>
    %swap3A_828 = arith.constant 32 : index
    %swap3A_829 = tpu.vector_load %arg5[%swap3A_828] {strides = array<i32>} : memref<64xf32, #tpu.memory_space<vmem>>, vector<16xf32>,
    %swap3A_830 = vector.shape_cast %swap3A_829 : vector<16xf32> to vector<16xf32>
    %swap3A_831 = vector.shape_cast %convert_element_type3A_827 : vector<16xf32> to vector<16xf32>
    tpu.vector_store %arg5[%swap3A_828], %swap3A_831 {strides = array<i32>} : memref<64xf32, #tpu.memory_space<vmem>>, vector<16xf32>,
    %get3A_832 = arith.constant 48 : index
    %get3A_833 = tpu.vector_load %arg4[%get3A_832] {strides = array<i32>} : memref<64xf32, #tpu.memory_space<vmem>>, vector<16xf32>,
    %get3A_834 = vector.shape_cast %get3A_833 : vector<16xf32> to vector<16xf32>
    %broadcast_in_dim3A_835 = arith.constant 0 : i32
    %broadcast_in_dim3A_836 = vector.broadcast %broadcast_in_dim3A_835 : i32 to vector<16xi32>
    %slice3A_837 = vector.extract_strided_slice %get3A_834 {offsets = [0], sizes = [1], strides = [1]} : vector<16xf32> to vector<1xf32>
    %squeeze3A_838 = vector.extract %slice3A_837[0] : f32 from vector<1xf32>
    %broadcast_in_dim3A_839 = vector.broadcast %squeeze3A_838 : f32 to vector<16xf32>
    %lt3A_840 = arith.cmpf olt, %broadcast_in_dim3A_839, %get3A_834 : vector<16xf32>
    %eq3A_841 = arith.cmpf oeq, %broadcast_in_dim3A_839, %get3A_834 : vector<16xf32>
    %gt3A_842 = arith.constant 0 : i32
    %gt3A_843 = vector.broadcast %gt3A_842 : i32 to vector<16xi32>
    %gt3A_844 = arith.cmpi sgt, %iota3A, %gt3A_843 : vector<16xi32>
    %and3A_845 = arith.andi %eq3A_841, %gt3A_844 : vector<16xi1>
    %or3A_846 = arith.ori %lt3A_840, %and3A_845 : vector<16xi1>
    %jit3A_847 = arith.constant 1 : i32
    %jit3A_848 = arith.constant 0 : i32
    %broadcast_in_dim3A_849 = vector.broadcast %jit3A_847 : i32 to vector<16xi32>
    %broadcast_in_dim3A_850 = vector.broadcast %jit3A_848 : i32 to vector<16xi32>
    %select_n3A_851 = arith.select %or3A_846, %broadcast_in_dim3A_849, %broadcast_in_dim3A_850 : vector<16xi1>, vector<16xi32>
    %add3A_852 = arith.addi %broadcast_in_dim3A_836, %select_n3A_851 : vector<16xi32>
    %slice3A_853 = vector.extract_strided_slice %get3A_834 {offsets = [1], sizes = [1], strides = [1]} : vector<16xf32> to vector<1xf32>
    %squeeze3A_854 = vector.extract %slice3A_853[0] : f32 from vector<1xf32>
    %broadcast_in_dim3A_855 = vector.broadcast %squeeze3A_854 : f32 to vector<16xf32>
    %lt3A_856 = arith.cmpf olt, %broadcast_in_dim3A_855, %get3A_834 : vector<16xf32>
    %eq3A_857 = arith.cmpf oeq, %broadcast_in_dim3A_855, %get3A_834 : vector<16xf32>
    %gt3A_858 = arith.constant 1 : i32
    %gt3A_859 = vector.broadcast %gt3A_858 : i32 to vector<16xi32>
    %gt3A_860 = arith.cmpi sgt, %iota3A, %gt3A_859 : vector<16xi32>
    %and3A_861 = arith.andi %eq3A_857, %gt3A_860 : vector<16xi1>
    %or3A_862 = arith.ori %lt3A_856, %and3A_861 : vector<16xi1>
    %jit3A_863 = arith.constant 1 : i32
    %jit3A_864 = arith.constant 0 : i32
    %broadcast_in_dim3A_865 = vector.broadcast %jit3A_863 : i32 to vector<16xi32>
    %broadcast_in_dim3A_866 = vector.broadcast %jit3A_864 : i32 to vector<16xi32>
    %select_n3A_867 = arith.select %or3A_862, %broadcast_in_dim3A_865, %broadcast_in_dim3A_866 : vector<16xi1>, vector<16xi32>
    %add3A_868 = arith.addi %add3A_852, %select_n3A_867 : vector<16xi32>
    %slice3A_869 = vector.extract_strided_slice %get3A_834 {offsets = [2], sizes = [1], strides = [1]} : vector<16xf32> to vector<1xf32>
    %squeeze3A_870 = vector.extract %slice3A_869[0] : f32 from vector<1xf32>
    %broadcast_in_dim3A_871 = vector.broadcast %squeeze3A_870 : f32 to vector<16xf32>
    %lt3A_872 = arith.cmpf olt, %broadcast_in_dim3A_871, %get3A_834 : vector<16xf32>
    %eq3A_873 = arith.cmpf oeq, %broadcast_in_dim3A_871, %get3A_834 : vector<16xf32>
    %gt3A_874 = arith.constant 2 : i32
    %gt3A_875 = vector.broadcast %gt3A_874 : i32 to vector<16xi32>
    %gt3A_876 = arith.cmpi sgt, %iota3A, %gt3A_875 : vector<16xi32>
    %and3A_877 = arith.andi %eq3A_873, %gt3A_876 : vector<16xi1>
    %or3A_878 = arith.ori %lt3A_872, %and3A_877 : vector<16xi1>
    %jit3A_879 = arith.constant 1 : i32
    %jit3A_880 = arith.constant 0 : i32
    %broadcast_in_dim3A_881 = vector.broadcast %jit3A_879 : i32 to vector<16xi32>
    %broadcast_in_dim3A_882 = vector.broadcast %jit3A_880 : i32 to vector<16xi32>
    %select_n3A_883 = arith.select %or3A_878, %broadcast_in_dim3A_881, %broadcast_in_dim3A_882 : vector<16xi1>, vector<16xi32>
    %add3A_884 = arith.addi %add3A_868, %select_n3A_883 : vector<16xi32>
    %slice3A_885 = vector.extract_strided_slice %get3A_834 {offsets = [3], sizes = [1], strides = [1]} : vector<16xf32> to vector<1xf32>
    %squeeze3A_886 = vector.extract %slice3A_885[0] : f32 from vector<1xf32>
    %broadcast_in_dim3A_887 = vector.broadcast %squeeze3A_886 : f32 to vector<16xf32>
    %lt3A_888 = arith.cmpf olt, %broadcast_in_dim3A_887, %get3A_834 : vector<16xf32>
    %eq3A_889 = arith.cmpf oeq, %broadcast_in_dim3A_887, %get3A_834 : vector<16xf32>
    %gt3A_890 = arith.constant 3 : i32
    %gt3A_891 = vector.broadcast %gt3A_890 : i32 to vector<16xi32>
    %gt3A_892 = arith.cmpi sgt, %iota3A, %gt3A_891 : vector<16xi32>
    %and3A_893 = arith.andi %eq3A_889, %gt3A_892 : vector<16xi1>
    %or3A_894 = arith.ori %lt3A_888, %and3A_893 : vector<16xi1>
    %jit3A_895 = arith.constant 1 : i32
    %jit3A_896 = arith.constant 0 : i32
    %broadcast_in_dim3A_897 = vector.broadcast %jit3A_895 : i32 to vector<16xi32>
    %broadcast_in_dim3A_898 = vector.broadcast %jit3A_896 : i32 to vector<16xi32>
    %select_n3A_899 = arith.select %or3A_894, %broadcast_in_dim3A_897, %broadcast_in_dim3A_898 : vector<16xi1>, vector<16xi32>
    %add3A_900 = arith.addi %add3A_884, %select_n3A_899 : vector<16xi32>
    %slice3A_901 = vector.extract_strided_slice %get3A_834 {offsets = [4], sizes = [1], strides = [1]} : vector<16xf32> to vector<1xf32>
    %squeeze3A_902 = vector.extract %slice3A_901[0] : f32 from vector<1xf32>
    %broadcast_in_dim3A_903 = vector.broadcast %squeeze3A_902 : f32 to vector<16xf32>
    %lt3A_904 = arith.cmpf olt, %broadcast_in_dim3A_903, %get3A_834 : vector<16xf32>
    %eq3A_905 = arith.cmpf oeq, %broadcast_in_dim3A_903, %get3A_834 : vector<16xf32>
    %gt3A_906 = arith.constant 4 : i32
    %gt3A_907 = vector.broadcast %gt3A_906 : i32 to vector<16xi32>
    %gt3A_908 = arith.cmpi sgt, %iota3A, %gt3A_907 : vector<16xi32>
    %and3A_909 = arith.andi %eq3A_905, %gt3A_908 : vector<16xi1>
    %or3A_910 = arith.ori %lt3A_904, %and3A_909 : vector<16xi1>
    %jit3A_911 = arith.constant 1 : i32
    %jit3A_912 = arith.constant 0 : i32
    %broadcast_in_dim3A_913 = vector.broadcast %jit3A_911 : i32 to vector<16xi32>
    %broadcast_in_dim3A_914 = vector.broadcast %jit3A_912 : i32 to vector<16xi32>
    %select_n3A_915 = arith.select %or3A_910, %broadcast_in_dim3A_913, %broadcast_in_dim3A_914 : vector<16xi1>, vector<16xi32>
    %add3A_916 = arith.addi %add3A_900, %select_n3A_915 : vector<16xi32>
    %slice3A_917 = vector.extract_strided_slice %get3A_834 {offsets = [5], sizes = [1], strides = [1]} : vector<16xf32> to vector<1xf32>
    %squeeze3A_918 = vector.extract %slice3A_917[0] : f32 from vector<1xf32>
    %broadcast_in_dim3A_919 = vector.broadcast %squeeze3A_918 : f32 to vector<16xf32>
    %lt3A_920 = arith.cmpf olt, %broadcast_in_dim3A_919, %get3A_834 : vector<16xf32>
    %eq3A_921 = arith.cmpf oeq, %broadcast_in_dim3A_919, %get3A_834 : vector<16xf32>
    %gt3A_922 = arith.constant 5 : i32
    %gt3A_923 = vector.broadcast %gt3A_922 : i32 to vector<16xi32>
    %gt3A_924 = arith.cmpi sgt, %iota3A, %gt3A_923 : vector<16xi32>
    %and3A_925 = arith.andi %eq3A_921, %gt3A_924 : vector<16xi1>
    %or3A_926 = arith.ori %lt3A_920, %and3A_925 : vector<16xi1>
    %jit3A_927 = arith.constant 1 : i32
    %jit3A_928 = arith.constant 0 : i32
    %broadcast_in_dim3A_929 = vector.broadcast %jit3A_927 : i32 to vector<16xi32>
    %broadcast_in_dim3A_930 = vector.broadcast %jit3A_928 : i32 to vector<16xi32>
    %select_n3A_931 = arith.select %or3A_926, %broadcast_in_dim3A_929, %broadcast_in_dim3A_930 : vector<16xi1>, vector<16xi32>
    %add3A_932 = arith.addi %add3A_916, %select_n3A_931 : vector<16xi32>
    %slice3A_933 = vector.extract_strided_slice %get3A_834 {offsets = [6], sizes = [1], strides = [1]} : vector<16xf32> to vector<1xf32>
    %squeeze3A_934 = vector.extract %slice3A_933[0] : f32 from vector<1xf32>
    %broadcast_in_dim3A_935 = vector.broadcast %squeeze3A_934 : f32 to vector<16xf32>
    %lt3A_936 = arith.cmpf olt, %broadcast_in_dim3A_935, %get3A_834 : vector<16xf32>
    %eq3A_937 = arith.cmpf oeq, %broadcast_in_dim3A_935, %get3A_834 : vector<16xf32>
    %gt3A_938 = arith.constant 6 : i32
    %gt3A_939 = vector.broadcast %gt3A_938 : i32 to vector<16xi32>
    %gt3A_940 = arith.cmpi sgt, %iota3A, %gt3A_939 : vector<16xi32>
    %and3A_941 = arith.andi %eq3A_937, %gt3A_940 : vector<16xi1>
    %or3A_942 = arith.ori %lt3A_936, %and3A_941 : vector<16xi1>
    %jit3A_943 = arith.constant 1 : i32
    %jit3A_944 = arith.constant 0 : i32
    %broadcast_in_dim3A_945 = vector.broadcast %jit3A_943 : i32 to vector<16xi32>
    %broadcast_in_dim3A_946 = vector.broadcast %jit3A_944 : i32 to vector<16xi32>
    %select_n3A_947 = arith.select %or3A_942, %broadcast_in_dim3A_945, %broadcast_in_dim3A_946 : vector<16xi1>, vector<16xi32>
    %add3A_948 = arith.addi %add3A_932, %select_n3A_947 : vector<16xi32>
    %slice3A_949 = vector.extract_strided_slice %get3A_834 {offsets = [7], sizes = [1], strides = [1]} : vector<16xf32> to vector<1xf32>
    %squeeze3A_950 = vector.extract %slice3A_949[0] : f32 from vector<1xf32>
    %broadcast_in_dim3A_951 = vector.broadcast %squeeze3A_950 : f32 to vector<16xf32>
    %lt3A_952 = arith.cmpf olt, %broadcast_in_dim3A_951, %get3A_834 : vector<16xf32>
    %eq3A_953 = arith.cmpf oeq, %broadcast_in_dim3A_951, %get3A_834 : vector<16xf32>
    %gt3A_954 = arith.constant 7 : i32
    %gt3A_955 = vector.broadcast %gt3A_954 : i32 to vector<16xi32>
    %gt3A_956 = arith.cmpi sgt, %iota3A, %gt3A_955 : vector<16xi32>
    %and3A_957 = arith.andi %eq3A_953, %gt3A_956 : vector<16xi1>
    %or3A_958 = arith.ori %lt3A_952, %and3A_957 : vector<16xi1>
    %jit3A_959 = arith.constant 1 : i32
    %jit3A_960 = arith.constant 0 : i32
    %broadcast_in_dim3A_961 = vector.broadcast %jit3A_959 : i32 to vector<16xi32>
    %broadcast_in_dim3A_962 = vector.broadcast %jit3A_960 : i32 to vector<16xi32>
    %select_n3A_963 = arith.select %or3A_958, %broadcast_in_dim3A_961, %broadcast_in_dim3A_962 : vector<16xi1>, vector<16xi32>
    %add3A_964 = arith.addi %add3A_948, %select_n3A_963 : vector<16xi32>
    %slice3A_965 = vector.extract_strided_slice %get3A_834 {offsets = [8], sizes = [1], strides = [1]} : vector<16xf32> to vector<1xf32>
    %squeeze3A_966 = vector.extract %slice3A_965[0] : f32 from vector<1xf32>
    %broadcast_in_dim3A_967 = vector.broadcast %squeeze3A_966 : f32 to vector<16xf32>
    %lt3A_968 = arith.cmpf olt, %broadcast_in_dim3A_967, %get3A_834 : vector<16xf32>
    %eq3A_969 = arith.cmpf oeq, %broadcast_in_dim3A_967, %get3A_834 : vector<16xf32>
    %gt3A_970 = arith.constant 8 : i32
    %gt3A_971 = vector.broadcast %gt3A_970 : i32 to vector<16xi32>
    %gt3A_972 = arith.cmpi sgt, %iota3A, %gt3A_971 : vector<16xi32>
    %and3A_973 = arith.andi %eq3A_969, %gt3A_972 : vector<16xi1>
    %or3A_974 = arith.ori %lt3A_968, %and3A_973 : vector<16xi1>
    %jit3A_975 = arith.constant 1 : i32
    %jit3A_976 = arith.constant 0 : i32
    %broadcast_in_dim3A_977 = vector.broadcast %jit3A_975 : i32 to vector<16xi32>
    %broadcast_in_dim3A_978 = vector.broadcast %jit3A_976 : i32 to vector<16xi32>
    %select_n3A_979 = arith.select %or3A_974, %broadcast_in_dim3A_977, %broadcast_in_dim3A_978 : vector<16xi1>, vector<16xi32>
    %add3A_980 = arith.addi %add3A_964, %select_n3A_979 : vector<16xi32>
    %slice3A_981 = vector.extract_strided_slice %get3A_834 {offsets = [9], sizes = [1], strides = [1]} : vector<16xf32> to vector<1xf32>
    %squeeze3A_982 = vector.extract %slice3A_981[0] : f32 from vector<1xf32>
    %broadcast_in_dim3A_983 = vector.broadcast %squeeze3A_982 : f32 to vector<16xf32>
    %lt3A_984 = arith.cmpf olt, %broadcast_in_dim3A_983, %get3A_834 : vector<16xf32>
    %eq3A_985 = arith.cmpf oeq, %broadcast_in_dim3A_983, %get3A_834 : vector<16xf32>
    %gt3A_986 = arith.constant 9 : i32
    %gt3A_987 = vector.broadcast %gt3A_986 : i32 to vector<16xi32>
    %gt3A_988 = arith.cmpi sgt, %iota3A, %gt3A_987 : vector<16xi32>
    %and3A_989 = arith.andi %eq3A_985, %gt3A_988 : vector<16xi1>
    %or3A_990 = arith.ori %lt3A_984, %and3A_989 : vector<16xi1>
    %jit3A_991 = arith.constant 1 : i32
    %jit3A_992 = arith.constant 0 : i32
    %broadcast_in_dim3A_993 = vector.broadcast %jit3A_991 : i32 to vector<16xi32>
    %broadcast_in_dim3A_994 = vector.broadcast %jit3A_992 : i32 to vector<16xi32>
    %select_n3A_995 = arith.select %or3A_990, %broadcast_in_dim3A_993, %broadcast_in_dim3A_994 : vector<16xi1>, vector<16xi32>
    %add3A_996 = arith.addi %add3A_980, %select_n3A_995 : vector<16xi32>
    %slice3A_997 = vector.extract_strided_slice %get3A_834 {offsets = [10], sizes = [1], strides = [1]} : vector<16xf32> to vector<1xf32>
    %squeeze3A_998 = vector.extract %slice3A_997[0] : f32 from vector<1xf32>
    %broadcast_in_dim3A_999 = vector.broadcast %squeeze3A_998 : f32 to vector<16xf32>
    %lt3A_1000 = arith.cmpf olt, %broadcast_in_dim3A_999, %get3A_834 : vector<16xf32>
    %eq3A_1001 = arith.cmpf oeq, %broadcast_in_dim3A_999, %get3A_834 : vector<16xf32>
    %gt3A_1002 = arith.constant 10 : i32
    %gt3A_1003 = vector.broadcast %gt3A_1002 : i32 to vector<16xi32>
    %gt3A_1004 = arith.cmpi sgt, %iota3A, %gt3A_1003 : vector<16xi32>
    %and3A_1005 = arith.andi %eq3A_1001, %gt3A_1004 : vector<16xi1>
    %or3A_1006 = arith.ori %lt3A_1000, %and3A_1005 : vector<16xi1>
    %jit3A_1007 = arith.constant 1 : i32
    %jit3A_1008 = arith.constant 0 : i32
    %broadcast_in_dim3A_1009 = vector.broadcast %jit3A_1007 : i32 to vector<16xi32>
    %broadcast_in_dim3A_1010 = vector.broadcast %jit3A_1008 : i32 to vector<16xi32>
    %select_n3A_1011 = arith.select %or3A_1006, %broadcast_in_dim3A_1009, %broadcast_in_dim3A_1010 : vector<16xi1>, vector<16xi32>
    %add3A_1012 = arith.addi %add3A_996, %select_n3A_1011 : vector<16xi32>
    %slice3A_1013 = vector.extract_strided_slice %get3A_834 {offsets = [11], sizes = [1], strides = [1]} : vector<16xf32> to vector<1xf32>
    %squeeze3A_1014 = vector.extract %slice3A_1013[0] : f32 from vector<1xf32>
    %broadcast_in_dim3A_1015 = vector.broadcast %squeeze3A_1014 : f32 to vector<16xf32>
    %lt3A_1016 = arith.cmpf olt, %broadcast_in_dim3A_1015, %get3A_834 : vector<16xf32>
    %eq3A_1017 = arith.cmpf oeq, %broadcast_in_dim3A_1015, %get3A_834 : vector<16xf32>
    %gt3A_1018 = arith.constant 11 : i32
    %gt3A_1019 = vector.broadcast %gt3A_1018 : i32 to vector<16xi32>
    %gt3A_1020 = arith.cmpi sgt, %iota3A, %gt3A_1019 : vector<16xi32>
    %and3A_1021 = arith.andi %eq3A_1017, %gt3A_1020 : vector<16xi1>
    %or3A_1022 = arith.ori %lt3A_1016, %and3A_1021 : vector<16xi1>
    %jit3A_1023 = arith.constant 1 : i32
    %jit3A_1024 = arith.constant 0 : i32
    %broadcast_in_dim3A_1025 = vector.broadcast %jit3A_1023 : i32 to vector<16xi32>
    %broadcast_in_dim3A_1026 = vector.broadcast %jit3A_1024 : i32 to vector<16xi32>
    %select_n3A_1027 = arith.select %or3A_1022, %broadcast_in_dim3A_1025, %broadcast_in_dim3A_1026 : vector<16xi1>, vector<16xi32>
    %add3A_1028 = arith.addi %add3A_1012, %select_n3A_1027 : vector<16xi32>
    %slice3A_1029 = vector.extract_strided_slice %get3A_834 {offsets = [12], sizes = [1], strides = [1]} : vector<16xf32> to vector<1xf32>
    %squeeze3A_1030 = vector.extract %slice3A_1029[0] : f32 from vector<1xf32>
    %broadcast_in_dim3A_1031 = vector.broadcast %squeeze3A_1030 : f32 to vector<16xf32>
    %lt3A_1032 = arith.cmpf olt, %broadcast_in_dim3A_1031, %get3A_834 : vector<16xf32>
    %eq3A_1033 = arith.cmpf oeq, %broadcast_in_dim3A_1031, %get3A_834 : vector<16xf32>
    %gt3A_1034 = arith.constant 12 : i32
    %gt3A_1035 = vector.broadcast %gt3A_1034 : i32 to vector<16xi32>
    %gt3A_1036 = arith.cmpi sgt, %iota3A, %gt3A_1035 : vector<16xi32>
    %and3A_1037 = arith.andi %eq3A_1033, %gt3A_1036 : vector<16xi1>
    %or3A_1038 = arith.ori %lt3A_1032, %and3A_1037 : vector<16xi1>
    %jit3A_1039 = arith.constant 1 : i32
    %jit3A_1040 = arith.constant 0 : i32
    %broadcast_in_dim3A_1041 = vector.broadcast %jit3A_1039 : i32 to vector<16xi32>
    %broadcast_in_dim3A_1042 = vector.broadcast %jit3A_1040 : i32 to vector<16xi32>
    %select_n3A_1043 = arith.select %or3A_1038, %broadcast_in_dim3A_1041, %broadcast_in_dim3A_1042 : vector<16xi1>, vector<16xi32>
    %add3A_1044 = arith.addi %add3A_1028, %select_n3A_1043 : vector<16xi32>
    %slice3A_1045 = vector.extract_strided_slice %get3A_834 {offsets = [13], sizes = [1], strides = [1]} : vector<16xf32> to vector<1xf32>
    %squeeze3A_1046 = vector.extract %slice3A_1045[0] : f32 from vector<1xf32>
    %broadcast_in_dim3A_1047 = vector.broadcast %squeeze3A_1046 : f32 to vector<16xf32>
    %lt3A_1048 = arith.cmpf olt, %broadcast_in_dim3A_1047, %get3A_834 : vector<16xf32>
    %eq3A_1049 = arith.cmpf oeq, %broadcast_in_dim3A_1047, %get3A_834 : vector<16xf32>
    %gt3A_1050 = arith.constant 13 : i32
    %gt3A_1051 = vector.broadcast %gt3A_1050 : i32 to vector<16xi32>
    %gt3A_1052 = arith.cmpi sgt, %iota3A, %gt3A_1051 : vector<16xi32>
    %and3A_1053 = arith.andi %eq3A_1049, %gt3A_1052 : vector<16xi1>
    %or3A_1054 = arith.ori %lt3A_1048, %and3A_1053 : vector<16xi1>
    %jit3A_1055 = arith.constant 1 : i32
    %jit3A_1056 = arith.constant 0 : i32
    %broadcast_in_dim3A_1057 = vector.broadcast %jit3A_1055 : i32 to vector<16xi32>
    %broadcast_in_dim3A_1058 = vector.broadcast %jit3A_1056 : i32 to vector<16xi32>
    %select_n3A_1059 = arith.select %or3A_1054, %broadcast_in_dim3A_1057, %broadcast_in_dim3A_1058 : vector<16xi1>, vector<16xi32>
    %add3A_1060 = arith.addi %add3A_1044, %select_n3A_1059 : vector<16xi32>
    %slice3A_1061 = vector.extract_strided_slice %get3A_834 {offsets = [14], sizes = [1], strides = [1]} : vector<16xf32> to vector<1xf32>
    %squeeze3A_1062 = vector.extract %slice3A_1061[0] : f32 from vector<1xf32>
    %broadcast_in_dim3A_1063 = vector.broadcast %squeeze3A_1062 : f32 to vector<16xf32>
    %lt3A_1064 = arith.cmpf olt, %broadcast_in_dim3A_1063, %get3A_834 : vector<16xf32>
    %eq3A_1065 = arith.cmpf oeq, %broadcast_in_dim3A_1063, %get3A_834 : vector<16xf32>
    %gt3A_1066 = arith.constant 14 : i32
    %gt3A_1067 = vector.broadcast %gt3A_1066 : i32 to vector<16xi32>
    %gt3A_1068 = arith.cmpi sgt, %iota3A, %gt3A_1067 : vector<16xi32>
    %and3A_1069 = arith.andi %eq3A_1065, %gt3A_1068 : vector<16xi1>
    %or3A_1070 = arith.ori %lt3A_1064, %and3A_1069 : vector<16xi1>
    %jit3A_1071 = arith.constant 1 : i32
    %jit3A_1072 = arith.constant 0 : i32
    %broadcast_in_dim3A_1073 = vector.broadcast %jit3A_1071 : i32 to vector<16xi32>
    %broadcast_in_dim3A_1074 = vector.broadcast %jit3A_1072 : i32 to vector<16xi32>
    %select_n3A_1075 = arith.select %or3A_1070, %broadcast_in_dim3A_1073, %broadcast_in_dim3A_1074 : vector<16xi1>, vector<16xi32>
    %add3A_1076 = arith.addi %add3A_1060, %select_n3A_1075 : vector<16xi32>
    %slice3A_1077 = vector.extract_strided_slice %get3A_834 {offsets = [15], sizes = [1], strides = [1]} : vector<16xf32> to vector<1xf32>
    %squeeze3A_1078 = vector.extract %slice3A_1077[0] : f32 from vector<1xf32>
    %broadcast_in_dim3A_1079 = vector.broadcast %squeeze3A_1078 : f32 to vector<16xf32>
    %lt3A_1080 = arith.cmpf olt, %broadcast_in_dim3A_1079, %get3A_834 : vector<16xf32>
    %eq3A_1081 = arith.cmpf oeq, %broadcast_in_dim3A_1079, %get3A_834 : vector<16xf32>
    %gt3A_1082 = arith.constant 15 : i32
    %gt3A_1083 = vector.broadcast %gt3A_1082 : i32 to vector<16xi32>
    %gt3A_1084 = arith.cmpi sgt, %iota3A, %gt3A_1083 : vector<16xi32>
    %and3A_1085 = arith.andi %eq3A_1081, %gt3A_1084 : vector<16xi1>
    %or3A_1086 = arith.ori %lt3A_1080, %and3A_1085 : vector<16xi1>
    %jit3A_1087 = arith.constant 1 : i32
    %jit3A_1088 = arith.constant 0 : i32
    %broadcast_in_dim3A_1089 = vector.broadcast %jit3A_1087 : i32 to vector<16xi32>
    %broadcast_in_dim3A_1090 = vector.broadcast %jit3A_1088 : i32 to vector<16xi32>
    %select_n3A_1091 = arith.select %or3A_1086, %broadcast_in_dim3A_1089, %broadcast_in_dim3A_1090 : vector<16xi1>, vector<16xi32>
    %add3A_1092 = arith.addi %add3A_1076, %select_n3A_1091 : vector<16xi32>
    %mul3A_1093 = arith.constant 4 : i32
    %mul3A_1094 = arith.muli %add3A, %mul3A_1093 : i32
    %add3A_1095 = arith.constant 3 : i32
    %add3A_1096 = arith.addi %mul3A_1094, %add3A_1095 : i32
    %lt3A_1097 = arith.constant 8 : i32
    %lt3A_1098 = vector.broadcast %lt3A_1097 : i32 to vector<16xi32>
    %lt3A_1099 = arith.cmpi slt, %add3A_1092, %lt3A_1098 : vector<16xi32>
    %mul3A_1100 = arith.constant 8 : i32
    %mul3A_1101 = arith.muli %add3A_1096, %mul3A_1100 : i32
    %add3A_1102 = vector.broadcast %mul3A_1101 : i32 to vector<16xi32>
    %add3A_1103 = arith.addi %add3A_1102, %add3A_1092 : vector<16xi32>
    %jit3A_1104 = arith.constant -1 : i32
    %broadcast_in_dim3A_1105 = vector.broadcast %jit3A_1104 : i32 to vector<16xi32>
    %select_n3A_1106 = arith.select %lt3A_1099, %add3A_1103, %broadcast_in_dim3A_1105 : vector<16xi1>, vector<16xi32>
    %convert_element_type3A_1107 = arith.sitofp %select_n3A_1106 : vector<16xi32> to vector<16xf32>
    %swap3A_1108 = arith.constant 48 : index
    %swap3A_1109 = tpu.vector_load %arg5[%swap3A_1108] {strides = array<i32>} : memref<64xf32, #tpu.memory_space<vmem>>, vector<16xf32>,
    %swap3A_1110 = vector.shape_cast %swap3A_1109 : vector<16xf32> to vector<16xf32>
    %swap3A_1111 = vector.shape_cast %convert_element_type3A_1107 : vector<16xf32> to vector<16xf32>
    tpu.vector_store %arg5[%swap3A_1108], %swap3A_1111 {strides = array<i32>} : memref<64xf32, #tpu.memory_space<vmem>>, vector<16xf32>,
    %mul3A_1112 = arith.constant 64 : i32
    %mul3A_1113 = arith.muli %add3A, %mul3A_1112 : i32
    %dma_start3A_1114 = tpu.memref_slice %arg3[%mul3A_1113] : memref<2048xf32, #tpu.memory_space<hbm>> -> memref<64xf32, #tpu.memory_space<hbm>>
    %dma_start3A_1115 = tpu.memref_slice %arg3[%mul3A_1113] : memref<2048xf32, #tpu.memory_space<hbm>> -> memref<64xf32, #tpu.memory_space<hbm>>
    tpu.enqueue_dma source(%arg5 : memref<64xf32, #tpu.memory_space<vmem>>) target(%dma_start3A_1115 : memref<64xf32, #tpu.memory_space<hbm>>) target_semaphore(%arg7 : memref<!tpu.dma_semaphore, #tpu.memory_space<semaphore_mem>>)
    %dma_wait3A_1116 = tpu.memref_slice %arg3[%mul3A_1113] : memref<2048xf32, #tpu.memory_space<hbm>> -> memref<64xf32, #tpu.memory_space<hbm>>
    %dma_wait3A_1117 = tpu.memref_slice %arg3[%mul3A_1113] : memref<2048xf32, #tpu.memory_space<hbm>> -> memref<64xf32, #tpu.memory_space<hbm>>
    tpu.wait_dma2 semaphore(%arg7 : memref<!tpu.dma_semaphore, #tpu.memory_space<semaphore_mem>>) src(%arg5 : memref<64xf32, #tpu.memory_space<vmem>>) dst(%dma_wait3A_1117 : memref<64xf32, #tpu.memory_space<hbm>>)
    return
  }
}

module attributes {stable_mosaic.version = 14 : i64} {
  func.func @_attn_kernel(%arg0: i32, %arg1: memref<32x32x512xf32, #tpu.memory_space<vmem>>, %arg2: memref<32x16x512xf32, #tpu.memory_space<vmem>>, %arg3: memref<512x512xf32, #tpu.memory_space<vmem>>, %arg4: memref<512x512xf32, #tpu.memory_space<vmem>>, %arg5: memref<512x512xf32, #tpu.memory_space<vmem>>, %arg6: memref<32x16xf32, #tpu.memory_space<vmem>>) attributes {dimension_semantics = [#tpu.dimension_semantics<arbitrary>], iteration_bounds = array<i64: 4>, scalar_prefetch = 0 : i64, scratch_operands = 0 : i64, tpu.core_type = #tpu.core_type<tc>, window_params = [{transform_indices = @transform_0, window_bounds = array<i64: 32, 32, 512>}, {transform_indices = @transform_1, window_bounds = array<i64: 32, 16, 512>}, {pipeline_mode = #tpu.pipeline_mode<synchronous>, transform_indices = @transform_2, window_bounds = array<i64: 512, 512>}, {pipeline_mode = #tpu.pipeline_mode<synchronous>, transform_indices = @transform_3, window_bounds = array<i64: 512, 512>}, {transform_indices = @transform_4, window_bounds = array<i64: 512, 512>}, {transform_indices = @transform_5, window_bounds = array<i64: 32, 16>}]} {
    %get3A = arith.constant 0 : index
    %get3A_0 = arith.constant 0 : index
    %get3A_1 = arith.constant 0 : index
    %get3A_2 = vector.load %arg1[%get3A, %get3A_0, %get3A_1] : memref<32x32x512xf32, #tpu.memory_space<vmem>>, vector<32x32x512xf32>
    %reshape3A = vector.shape_cast %get3A_2 : vector<32x32x512xf32> to vector<1024x512xf32>
    %get3A_3 = arith.constant 0 : index
    %get3A_4 = arith.constant 0 : index
    %get3A_5 = arith.constant 0 : index
    %get3A_6 = vector.load %arg2[%get3A_3, %get3A_4, %get3A_5] : memref<32x16x512xf32, #tpu.memory_space<vmem>>, vector<32x16x512xf32>
    %reshape3A_7 = vector.shape_cast %get3A_6 : vector<32x16x512xf32> to vector<512x512xf32>
    %get3A_8 = arith.constant 0 : index
    %get3A_9 = arith.constant 0 : index
    %get3A_10 = vector.load %arg4[%get3A_8, %get3A_9] : memref<512x512xf32, #tpu.memory_space<vmem>>, vector<512x512xf32>
    %dot_general3A = arith.constant dense<0.000000e+00> : vector<1024x512xf32>
    %dot_general3A_11 = tpu.matmul %reshape3A, %get3A_10, %dot_general3A {dimension_numbers = #tpu.dot_dimension_numbers<[1], [0], [0], [1], [0, 0, 1, 1], [], []>, transpose_lhs_hint = false} : vector<1024x512xf32>, vector<512x512xf32>, vector<1024x512xf32> -> vector<1024x512xf32>
    %get3A_12 = arith.constant 0 : index
    %get3A_13 = arith.constant 0 : index
    %get3A_14 = vector.load %arg3[%get3A_12, %get3A_13] : memref<512x512xf32, #tpu.memory_space<vmem>>, vector<512x512xf32>
    %dot_general3A_15 = arith.constant dense<0.000000e+00> : vector<512x512xf32>
    %dot_general3A_16 = tpu.matmul %reshape3A_7, %get3A_14, %dot_general3A_15 {dimension_numbers = #tpu.dot_dimension_numbers<[1], [0], [0], [1], [0, 0, 1, 1], [], []>, transpose_lhs_hint = false} : vector<512x512xf32>, vector<512x512xf32>, vector<512x512xf32> -> vector<512x512xf32>
    %iota3A = tpu.iota {dimensions = array<i32: 0>} : vector<256x512xi32>
    %jit3A = arith.constant 16 : i32
    %div3A = vector.broadcast %jit3A : i32 to vector<256x512xi32>
    %div3A_17 = arith.divsi %iota3A, %div3A : vector<256x512xi32>
    %sign3A = arith.constant 0 : i32
    %sign3A_18 = vector.broadcast %sign3A : i32 to vector<256x512xi32>
    %sign3A_19 = arith.cmpi sgt, %iota3A, %sign3A_18 : vector<256x512xi32>
    %sign3A_20 = arith.extui %sign3A_19 : vector<256x512xi1> to vector<256x512xi32>
    %sign3A_21 = arith.constant 0 : i32
    %sign3A_22 = vector.broadcast %sign3A_21 : i32 to vector<256x512xi32>
    %sign3A_23 = arith.cmpi slt, %iota3A, %sign3A_22 : vector<256x512xi32>
    %sign3A_24 = arith.extui %sign3A_23 : vector<256x512xi1> to vector<256x512xi32>
    %sign3A_25 = arith.subi %sign3A_20, %sign3A_24 : vector<256x512xi32>
    %sign3A_26 = arith.constant 0 : i32
    %sign3A_27 = arith.cmpi sgt, %jit3A, %sign3A_26 : i32
    %sign3A_28 = arith.extui %sign3A_27 : i1 to i32
    %sign3A_29 = arith.constant 0 : i32
    %sign3A_30 = arith.cmpi slt, %jit3A, %sign3A_29 : i32
    %sign3A_31 = arith.extui %sign3A_30 : i1 to i32
    %sign3A_32 = arith.subi %sign3A_28, %sign3A_31 : i32
    %ne3A = vector.broadcast %sign3A_32 : i32 to vector<256x512xi32>
    %ne3A_33 = arith.cmpi ne, %sign3A_25, %ne3A : vector<256x512xi32>
    %rem3A = vector.broadcast %jit3A : i32 to vector<256x512xi32>
    %rem3A_34 = arith.remsi %iota3A, %rem3A : vector<256x512xi32>
    %ne3A_35 = arith.constant 0 : i32
    %ne3A_36 = vector.broadcast %ne3A_35 : i32 to vector<256x512xi32>
    %ne3A_37 = arith.cmpi ne, %rem3A_34, %ne3A_36 : vector<256x512xi32>
    %and3A = arith.andi %ne3A_33, %ne3A_37 : vector<256x512xi1>
    %sub3A = arith.constant 1 : i32
    %sub3A_38 = vector.broadcast %sub3A : i32 to vector<256x512xi32>
    %sub3A_39 = arith.subi %div3A_17, %sub3A_38 : vector<256x512xi32>
    %select_n3A = arith.select %and3A, %sub3A_39, %div3A_17 : vector<256x512xi1>, vector<256x512xi32>
    %iota3A_40 = tpu.iota {dimensions = array<i32: 1>} : vector<256x512xi32>
    %jit3A_41 = arith.constant 32 : i32
    %div3A_42 = vector.broadcast %jit3A_41 : i32 to vector<256x512xi32>
    %div3A_43 = arith.divsi %iota3A_40, %div3A_42 : vector<256x512xi32>
    %sign3A_44 = arith.constant 0 : i32
    %sign3A_45 = vector.broadcast %sign3A_44 : i32 to vector<256x512xi32>
    %sign3A_46 = arith.cmpi sgt, %iota3A_40, %sign3A_45 : vector<256x512xi32>
    %sign3A_47 = arith.extui %sign3A_46 : vector<256x512xi1> to vector<256x512xi32>
    %sign3A_48 = arith.constant 0 : i32
    %sign3A_49 = vector.broadcast %sign3A_48 : i32 to vector<256x512xi32>
    %sign3A_50 = arith.cmpi slt, %iota3A_40, %sign3A_49 : vector<256x512xi32>
    %sign3A_51 = arith.extui %sign3A_50 : vector<256x512xi1> to vector<256x512xi32>
    %sign3A_52 = arith.subi %sign3A_47, %sign3A_51 : vector<256x512xi32>
    %sign3A_53 = arith.constant 0 : i32
    %sign3A_54 = arith.cmpi sgt, %jit3A_41, %sign3A_53 : i32
    %sign3A_55 = arith.extui %sign3A_54 : i1 to i32
    %sign3A_56 = arith.constant 0 : i32
    %sign3A_57 = arith.cmpi slt, %jit3A_41, %sign3A_56 : i32
    %sign3A_58 = arith.extui %sign3A_57 : i1 to i32
    %sign3A_59 = arith.subi %sign3A_55, %sign3A_58 : i32
    %ne3A_60 = vector.broadcast %sign3A_59 : i32 to vector<256x512xi32>
    %ne3A_61 = arith.cmpi ne, %sign3A_52, %ne3A_60 : vector<256x512xi32>
    %rem3A_62 = vector.broadcast %jit3A_41 : i32 to vector<256x512xi32>
    %rem3A_63 = arith.remsi %iota3A_40, %rem3A_62 : vector<256x512xi32>
    %ne3A_64 = arith.constant 0 : i32
    %ne3A_65 = vector.broadcast %ne3A_64 : i32 to vector<256x512xi32>
    %ne3A_66 = arith.cmpi ne, %rem3A_63, %ne3A_65 : vector<256x512xi32>
    %and3A_67 = arith.andi %ne3A_61, %ne3A_66 : vector<256x512xi1>
    %sub3A_68 = arith.constant 1 : i32
    %sub3A_69 = vector.broadcast %sub3A_68 : i32 to vector<256x512xi32>
    %sub3A_70 = arith.subi %div3A_43, %sub3A_69 : vector<256x512xi32>
    %select_n3A_71 = arith.select %and3A_67, %sub3A_70, %div3A_43 : vector<256x512xi1>, vector<256x512xi32>
    %eq3A = arith.cmpi eq, %select_n3A, %select_n3A_71 : vector<256x512xi32>
    %slice3A = vector.extract_strided_slice %dot_general3A_16 {offsets = [0, 0], sizes = [256, 512], strides = [1, 1]} : vector<512x512xf32> to vector<256x512xf32>
    %slice3A_72 = vector.extract_strided_slice %dot_general3A_11 {offsets = [0, 0], sizes = [512, 512], strides = [1, 1]} : vector<1024x512xf32> to vector<512x512xf32>
    %transpose3A = tpu.transpose %slice3A_72, [1, 0] : vector<512x512xf32> -> vector<512x512xf32>
    %dot_general3A_73 = arith.constant dense<0.000000e+00> : vector<256x512xf32>
    %dot_general3A_74 = tpu.matmul %slice3A, %transpose3A, %dot_general3A_73 {dimension_numbers = #tpu.dot_dimension_numbers<[1], [0], [0], [1], [0, 0, 1, 1], [], []>, transpose_lhs_hint = false} : vector<256x512xf32>, vector<512x512xf32>, vector<256x512xf32> -> vector<256x512xf32>
    %mul3A = arith.constant 0.0441941731 : f32
    %mul3A_75 = vector.broadcast %mul3A : f32 to vector<256x512xf32>
    %mul3A_76 = arith.mulf %dot_general3A_74, %mul3A_75 : vector<256x512xf32>
    %jit3A_77 = arith.constant -1.000000e+30 : f32
    %broadcast_in_dim3A = vector.broadcast %jit3A_77 : f32 to vector<256x512xf32>
    %select_n3A_78 = arith.select %eq3A, %mul3A_76, %broadcast_in_dim3A : vector<256x512xi1>, vector<256x512xf32>
    %reduce_max3A = arith.constant dense<0xFF800000> : vector<256xf32>
    %reduce_max3A_79 = vector.multi_reduction <maximumf>, %select_n3A_78, %reduce_max3A [1] : vector<256x512xf32> to vector<256xf32>
    %broadcast_in_dim3A_80 = vector.shape_cast %reduce_max3A_79 : vector<256xf32> to vector<256x1xf32>
    %max3A = arith.constant 0.000000e+00 : f32
    %max3A_81 = vector.broadcast %max3A : f32 to vector<256x1xf32>
    %max3A_82 = arith.maximumf %broadcast_in_dim3A_80, %max3A_81 : vector<256x1xf32>
    %sub3A_83 = vector.broadcast %max3A_82 : vector<256x1xf32> to vector<256x512xf32>
    %sub3A_84 = arith.subf %select_n3A_78, %sub3A_83 : vector<256x512xf32>
    %exp3A = math.exp %sub3A_84 : vector<256x512xf32>
    %neg3A = arith.constant 0.000000e+00 : f32
    %neg3A_85 = vector.broadcast %neg3A : f32 to vector<256x1xf32>
    %neg3A_86 = arith.subf %neg3A_85, %max3A_82 : vector<256x1xf32>
    %exp3A_87 = math.exp %neg3A_86 : vector<256x1xf32>
    %reduce_sum3A = arith.constant dense<0.000000e+00> : vector<256xf32>
    %reduce_sum3A_88 = vector.multi_reduction <add>, %exp3A, %reduce_sum3A [1] : vector<256x512xf32> to vector<256xf32>
    %broadcast_in_dim3A_89 = vector.shape_cast %reduce_sum3A_88 : vector<256xf32> to vector<256x1xf32>
    %add3A = arith.addf %broadcast_in_dim3A_89, %exp3A_87 : vector<256x1xf32>
    %div3A_90 = vector.broadcast %add3A : vector<256x1xf32> to vector<256x512xf32>
    %div3A_91 = arith.divf %exp3A, %div3A_90 : vector<256x512xf32>
    %slice3A_92 = vector.extract_strided_slice %reshape3A {offsets = [0, 0], sizes = [512, 512], strides = [1, 1]} : vector<1024x512xf32> to vector<512x512xf32>
    %dot_general3A_93 = arith.constant dense<0.000000e+00> : vector<256x512xf32>
    %dot_general3A_94 = tpu.matmul %div3A_91, %slice3A_92, %dot_general3A_93 {dimension_numbers = #tpu.dot_dimension_numbers<[1], [0], [0], [1], [0, 0, 1, 1], [], []>, transpose_lhs_hint = false} : vector<256x512xf32>, vector<512x512xf32>, vector<256x512xf32> -> vector<256x512xf32>
    %swap3A = arith.constant 0 : index
    %swap3A_95 = arith.constant 0 : index
    %swap3A_96 = vector.load %arg5[%swap3A, %swap3A_95] : memref<512x512xf32, #tpu.memory_space<vmem>>, vector<256x512xf32>
    tpu.vector_store %arg5[%swap3A, %swap3A_95], %dot_general3A_94 {strides = array<i32>} : memref<512x512xf32, #tpu.memory_space<vmem>>, vector<256x512xf32>,
    %div3A_97 = arith.divf %exp3A_87, %add3A : vector<256x1xf32>
    %reshape3A_98 = vector.shape_cast %div3A_97 : vector<256x1xf32> to vector<16x16xf32>
    %swap3A_99 = arith.constant 0 : index
    %swap3A_100 = arith.constant 0 : index
    %swap3A_101 = vector.load %arg6[%swap3A_99, %swap3A_100] : memref<32x16xf32, #tpu.memory_space<vmem>>, vector<16x16xf32>
    tpu.vector_store %arg6[%swap3A_99, %swap3A_100], %reshape3A_98 {strides = array<i32>} : memref<32x16xf32, #tpu.memory_space<vmem>>, vector<16x16xf32>,
    %slice3A_102 = vector.extract_strided_slice %dot_general3A_16 {offsets = [256, 0], sizes = [256, 512], strides = [1, 1]} : vector<512x512xf32> to vector<256x512xf32>
    %slice3A_103 = vector.extract_strided_slice %dot_general3A_11 {offsets = [512, 0], sizes = [512, 512], strides = [1, 1]} : vector<1024x512xf32> to vector<512x512xf32>
    %transpose3A_104 = tpu.transpose %slice3A_103, [1, 0] : vector<512x512xf32> -> vector<512x512xf32>
    %dot_general3A_105 = arith.constant dense<0.000000e+00> : vector<256x512xf32>
    %dot_general3A_106 = tpu.matmul %slice3A_102, %transpose3A_104, %dot_general3A_105 {dimension_numbers = #tpu.dot_dimension_numbers<[1], [0], [0], [1], [0, 0, 1, 1], [], []>, transpose_lhs_hint = false} : vector<256x512xf32>, vector<512x512xf32>, vector<256x512xf32> -> vector<256x512xf32>
    %mul3A_107 = arith.constant 0.0441941731 : f32
    %mul3A_108 = vector.broadcast %mul3A_107 : f32 to vector<256x512xf32>
    %mul3A_109 = arith.mulf %dot_general3A_106, %mul3A_108 : vector<256x512xf32>
    %jit3A_110 = arith.constant -1.000000e+30 : f32
    %broadcast_in_dim3A_111 = vector.broadcast %jit3A_110 : f32 to vector<256x512xf32>
    %select_n3A_112 = arith.select %eq3A, %mul3A_109, %broadcast_in_dim3A_111 : vector<256x512xi1>, vector<256x512xf32>
    %reduce_max3A_113 = arith.constant dense<0xFF800000> : vector<256xf32>
    %reduce_max3A_114 = vector.multi_reduction <maximumf>, %select_n3A_112, %reduce_max3A_113 [1] : vector<256x512xf32> to vector<256xf32>
    %broadcast_in_dim3A_115 = vector.shape_cast %reduce_max3A_114 : vector<256xf32> to vector<256x1xf32>
    %max3A_116 = arith.constant 0.000000e+00 : f32
    %max3A_117 = vector.broadcast %max3A_116 : f32 to vector<256x1xf32>
    %max3A_118 = arith.maximumf %broadcast_in_dim3A_115, %max3A_117 : vector<256x1xf32>
    %sub3A_119 = vector.broadcast %max3A_118 : vector<256x1xf32> to vector<256x512xf32>
    %sub3A_120 = arith.subf %select_n3A_112, %sub3A_119 : vector<256x512xf32>
    %exp3A_121 = math.exp %sub3A_120 : vector<256x512xf32>
    %neg3A_122 = arith.constant 0.000000e+00 : f32
    %neg3A_123 = vector.broadcast %neg3A_122 : f32 to vector<256x1xf32>
    %neg3A_124 = arith.subf %neg3A_123, %max3A_118 : vector<256x1xf32>
    %exp3A_125 = math.exp %neg3A_124 : vector<256x1xf32>
    %reduce_sum3A_126 = arith.constant dense<0.000000e+00> : vector<256xf32>
    %reduce_sum3A_127 = vector.multi_reduction <add>, %exp3A_121, %reduce_sum3A_126 [1] : vector<256x512xf32> to vector<256xf32>
    %broadcast_in_dim3A_128 = vector.shape_cast %reduce_sum3A_127 : vector<256xf32> to vector<256x1xf32>
    %add3A_129 = arith.addf %broadcast_in_dim3A_128, %exp3A_125 : vector<256x1xf32>
    %div3A_130 = vector.broadcast %add3A_129 : vector<256x1xf32> to vector<256x512xf32>
    %div3A_131 = arith.divf %exp3A_121, %div3A_130 : vector<256x512xf32>
    %slice3A_132 = vector.extract_strided_slice %reshape3A {offsets = [512, 0], sizes = [512, 512], strides = [1, 1]} : vector<1024x512xf32> to vector<512x512xf32>
    %dot_general3A_133 = arith.constant dense<0.000000e+00> : vector<256x512xf32>
    %dot_general3A_134 = tpu.matmul %div3A_131, %slice3A_132, %dot_general3A_133 {dimension_numbers = #tpu.dot_dimension_numbers<[1], [0], [0], [1], [0, 0, 1, 1], [], []>, transpose_lhs_hint = false} : vector<256x512xf32>, vector<512x512xf32>, vector<256x512xf32> -> vector<256x512xf32>
    %swap3A_135 = arith.constant 256 : index
    %swap3A_136 = arith.constant 0 : index
    %swap3A_137 = vector.load %arg5[%swap3A_135, %swap3A_136] : memref<512x512xf32, #tpu.memory_space<vmem>>, vector<256x512xf32>
    tpu.vector_store %arg5[%swap3A_135, %swap3A_136], %dot_general3A_134 {strides = array<i32>} : memref<512x512xf32, #tpu.memory_space<vmem>>, vector<256x512xf32>,
    %div3A_138 = arith.divf %exp3A_125, %add3A_129 : vector<256x1xf32>
    %reshape3A_139 = vector.shape_cast %div3A_138 : vector<256x1xf32> to vector<16x16xf32>
    %swap3A_140 = arith.constant 16 : index
    %swap3A_141 = arith.constant 0 : index
    %swap3A_142 = vector.load %arg6[%swap3A_140, %swap3A_141] : memref<32x16xf32, #tpu.memory_space<vmem>>, vector<16x16xf32>
    tpu.vector_store %arg6[%swap3A_140, %swap3A_141], %reshape3A_139 {strides = array<i32>} : memref<32x16xf32, #tpu.memory_space<vmem>>, vector<16x16xf32>,
    return
  }
  func.func @transform_0(%arg0: i32) -> (i32, i32, i32) {
    %c0_i32 = arith.constant 0 : i32
    %c0_i32_0 = arith.constant 0 : i32
    %c0_i32_1 = arith.constant 0 : i32
    return %arg0, %c0_i32, %c0_i32_0 : i32, i32, i32
  }
  func.func @transform_1(%arg0: i32) -> (i32, i32, i32) {
    %c0_i32 = arith.constant 0 : i32
    %c0_i32_0 = arith.constant 0 : i32
    %c0_i32_1 = arith.constant 0 : i32
    return %arg0, %c0_i32, %c0_i32_0 : i32, i32, i32
  }
  func.func @transform_2(%arg0: i32) -> (i32, i32) {
    %c0_i32 = arith.constant 0 : i32
    %c0_i32_0 = arith.constant 0 : i32
    %c0_i32_1 = arith.constant 0 : i32
    return %c0_i32, %c0_i32_0 : i32, i32
  }
  func.func @transform_3(%arg0: i32) -> (i32, i32) {
    %c0_i32 = arith.constant 0 : i32
    %c0_i32_0 = arith.constant 0 : i32
    %c0_i32_1 = arith.constant 0 : i32
    return %c0_i32, %c0_i32_0 : i32, i32
  }
  func.func @transform_4(%arg0: i32) -> (i32, i32) {
    %c0_i32 = arith.constant 0 : i32
    %c0_i32_0 = arith.constant 0 : i32
    return %arg0, %c0_i32 : i32, i32
  }
  func.func @transform_5(%arg0: i32) -> (i32, i32) {
    %c0_i32 = arith.constant 0 : i32
    %c0_i32_0 = arith.constant 0 : i32
    return %arg0, %c0_i32 : i32, i32
  }
}

module attributes {stable_mosaic.version = 14 : i64} {
  func.func @_gru_kernel(%arg0: i32, %arg1: memref<512x512xf32, #tpu.memory_space<vmem>>, %arg2: memref<32x16x512xf32, #tpu.memory_space<vmem>>, %arg3: memref<32x16xf32, #tpu.memory_space<vmem>>, %arg4: memref<512x512xf32, #tpu.memory_space<vmem>>, %arg5: memref<512x1536xf32, #tpu.memory_space<any>>, %arg6: memref<512x1536xf32, #tpu.memory_space<any>>, %arg7: memref<1x1536xf32, #tpu.memory_space<vmem>>, %arg8: memref<1x1536xf32, #tpu.memory_space<vmem>>, %arg9: memref<32x16x512xf32, #tpu.memory_space<vmem>>, %arg10: memref<512x1536xf32, #tpu.memory_space<vmem>>, %arg11: memref<512x1536xf32, #tpu.memory_space<vmem>>, %arg12: memref<!tpu.dma_semaphore, #tpu.memory_space<semaphore_mem>>, %arg13: memref<!tpu.dma_semaphore, #tpu.memory_space<semaphore_mem>>) attributes {dimension_semantics = [#tpu.dimension_semantics<arbitrary>], iteration_bounds = array<i64: 4>, scalar_prefetch = 0 : i64, scratch_operands = 4 : i64, tpu.core_type = #tpu.core_type<tc>, window_params = [{transform_indices = @transform_0, window_bounds = array<i64: 512, 512>}, {transform_indices = @transform_1, window_bounds = array<i64: 32, 16, 512>}, {transform_indices = @transform_2, window_bounds = array<i64: 32, 16>}, {pipeline_mode = #tpu.pipeline_mode<synchronous>, transform_indices = @transform_3, window_bounds = array<i64: 512, 512>}, {}, {}, {pipeline_mode = #tpu.pipeline_mode<synchronous>, transform_indices = @transform_6, window_bounds = array<i64: 1, 1536>}, {pipeline_mode = #tpu.pipeline_mode<synchronous>, transform_indices = @transform_7, window_bounds = array<i64: 1, 1536>}, {transform_indices = @transform_8, window_bounds = array<i64: 32, 16, 512>}]} {
    %eq3A = arith.constant 0 : i32
    %eq3A_0 = arith.cmpi eq, %arg0, %eq3A : i32
    %convert_element_type3A = arith.extui %eq3A_0 : i1 to i32
    %cond3A = arith.constant 0 : i32
    %cond3A_1 = arith.cmpi ne, %convert_element_type3A, %cond3A : i32
    scf.if %cond3A_1 {
      tpu.enqueue_dma source(%arg5 : memref<512x1536xf32, #tpu.memory_space<any>>) target(%arg10 : memref<512x1536xf32, #tpu.memory_space<vmem>>) target_semaphore(%arg12 : memref<!tpu.dma_semaphore, #tpu.memory_space<semaphore_mem>>)
      tpu.enqueue_dma source(%arg6 : memref<512x1536xf32, #tpu.memory_space<any>>) target(%arg11 : memref<512x1536xf32, #tpu.memory_space<vmem>>) target_semaphore(%arg13 : memref<!tpu.dma_semaphore, #tpu.memory_space<semaphore_mem>>)
    } else {
    }
    %get3A = arith.constant 0 : index
    %get3A_2 = arith.constant 0 : index
    %get3A_3 = arith.constant 0 : index
    %get3A_4 = vector.load %arg2[%get3A, %get3A_2, %get3A_3] : memref<32x16x512xf32, #tpu.memory_space<vmem>>, vector<32x16x512xf32>
    %reshape3A = vector.shape_cast %get3A_4 : vector<32x16x512xf32> to vector<512x512xf32>
    %get3A_5 = arith.constant 0 : index
    %get3A_6 = arith.constant 0 : index
    %get3A_7 = vector.load %arg1[%get3A_5, %get3A_6] : memref<512x512xf32, #tpu.memory_space<vmem>>, vector<512x512xf32>
    %get3A_8 = arith.constant 0 : index
    %get3A_9 = arith.constant 0 : index
    %get3A_10 = vector.load %arg3[%get3A_8, %get3A_9] : memref<32x16xf32, #tpu.memory_space<vmem>>, vector<32x16xf32>
    %mul3A = arith.constant 256 : i32
    %mul3A_11 = arith.muli %arg0, %mul3A : i32
    %convert_element_type3A_12 = arith.sitofp %mul3A_11 : i32 to f32
    %sub3A = vector.broadcast %convert_element_type3A_12 : f32 to vector<32x16xf32>
    %sub3A_13 = arith.subf %get3A_10, %sub3A : vector<32x16xf32>
    %ge3A = arith.constant 0.000000e+00 : f32
    %ge3A_14 = vector.broadcast %ge3A : f32 to vector<32x16xf32>
    %ge3A_15 = arith.cmpf oge, %sub3A_13, %ge3A_14 : vector<32x16xf32>
    %jit3A = arith.constant -1.000000e+00 : f32
    %broadcast_in_dim3A = vector.broadcast %jit3A : f32 to vector<32x16xf32>
    %select_n3A = arith.select %ge3A_15, %sub3A_13, %broadcast_in_dim3A : vector<32x16xi1>, vector<32x16xf32>
    %iota3A = tpu.iota {dimensions = array<i32: 0>} : vector<512x32xi32>
    %iota3A_16 = tpu.iota {dimensions = array<i32: 1>} : vector<512x32xi32>
    %jit3A_17 = arith.constant 16 : i32
    %div3A = vector.broadcast %jit3A_17 : i32 to vector<512x32xi32>
    %div3A_18 = arith.divsi %iota3A, %div3A : vector<512x32xi32>
    %sign3A = arith.constant 0 : i32
    %sign3A_19 = vector.broadcast %sign3A : i32 to vector<512x32xi32>
    %sign3A_20 = arith.cmpi sgt, %iota3A, %sign3A_19 : vector<512x32xi32>
    %sign3A_21 = arith.extui %sign3A_20 : vector<512x32xi1> to vector<512x32xi32>
    %sign3A_22 = arith.constant 0 : i32
    %sign3A_23 = vector.broadcast %sign3A_22 : i32 to vector<512x32xi32>
    %sign3A_24 = arith.cmpi slt, %iota3A, %sign3A_23 : vector<512x32xi32>
    %sign3A_25 = arith.extui %sign3A_24 : vector<512x32xi1> to vector<512x32xi32>
    %sign3A_26 = arith.subi %sign3A_21, %sign3A_25 : vector<512x32xi32>
    %sign3A_27 = arith.constant 0 : i32
    %sign3A_28 = arith.cmpi sgt, %jit3A_17, %sign3A_27 : i32
    %sign3A_29 = arith.extui %sign3A_28 : i1 to i32
    %sign3A_30 = arith.constant 0 : i32
    %sign3A_31 = arith.cmpi slt, %jit3A_17, %sign3A_30 : i32
    %sign3A_32 = arith.extui %sign3A_31 : i1 to i32
    %sign3A_33 = arith.subi %sign3A_29, %sign3A_32 : i32
    %ne3A = vector.broadcast %sign3A_33 : i32 to vector<512x32xi32>
    %ne3A_34 = arith.cmpi ne, %sign3A_26, %ne3A : vector<512x32xi32>
    %rem3A = vector.broadcast %jit3A_17 : i32 to vector<512x32xi32>
    %rem3A_35 = arith.remsi %iota3A, %rem3A : vector<512x32xi32>
    %ne3A_36 = arith.constant 0 : i32
    %ne3A_37 = vector.broadcast %ne3A_36 : i32 to vector<512x32xi32>
    %ne3A_38 = arith.cmpi ne, %rem3A_35, %ne3A_37 : vector<512x32xi32>
    %and3A = arith.andi %ne3A_34, %ne3A_38 : vector<512x32xi1>
    %sub3A_39 = arith.constant 1 : i32
    %sub3A_40 = vector.broadcast %sub3A_39 : i32 to vector<512x32xi32>
    %sub3A_41 = arith.subi %div3A_18, %sub3A_40 : vector<512x32xi32>
    %select_n3A_42 = arith.select %and3A, %sub3A_41, %div3A_18 : vector<512x32xi1>, vector<512x32xi32>
    %eq3A_43 = arith.cmpi eq, %select_n3A_42, %iota3A_16 : vector<512x32xi32>
    %convert_element_type3A_44 = arith.extui %eq3A_43 : vector<512x32xi1> to vector<512x32xi32>
    %convert_element_type3A_45 = arith.sitofp %convert_element_type3A_44 : vector<512x32xi32> to vector<512x32xf32>
    %iota3A_46 = tpu.iota {dimensions = array<i32: 0>} : vector<512x16xi32>
    %iota3A_47 = tpu.iota {dimensions = array<i32: 1>} : vector<512x16xi32>
    %jit3A_48 = arith.constant 16 : i32
    %eq3A_49 = arith.constant 0 : i32
    %eq3A_50 = arith.cmpi eq, %jit3A_48, %eq3A_49 : i32
    %jit3A_51 = arith.constant 1 : i32
    %select_n3A_52 = arith.select %eq3A_50, %jit3A_51, %jit3A_48 : i32
    %rem3A_53 = vector.broadcast %select_n3A_52 : i32 to vector<512x16xi32>
    %rem3A_54 = arith.remsi %iota3A_46, %rem3A_53 : vector<512x16xi32>
    %ne3A_55 = arith.constant 0 : i32
    %ne3A_56 = vector.broadcast %ne3A_55 : i32 to vector<512x16xi32>
    %ne3A_57 = arith.cmpi ne, %rem3A_54, %ne3A_56 : vector<512x16xi32>
    %lt3A = arith.constant 0 : i32
    %lt3A_58 = vector.broadcast %lt3A : i32 to vector<512x16xi32>
    %lt3A_59 = arith.cmpi slt, %rem3A_54, %lt3A_58 : vector<512x16xi32>
    %lt3A_60 = arith.constant 0 : i32
    %lt3A_61 = arith.cmpi slt, %select_n3A_52, %lt3A_60 : i32
    %ne3A_62 = vector.broadcast %lt3A_61 : i1 to vector<512x16xi1>
    %ne3A_63 = vector.broadcast %ne3A_62 : vector<512x16xi1> to vector<512x16xi1>
    %ne3A_64 = arith.xori %lt3A_59, %ne3A_63 : vector<512x16xi1>
    %and3A_65 = arith.andi %ne3A_64, %ne3A_57 : vector<512x16xi1>
    %add3A = vector.broadcast %select_n3A_52 : i32 to vector<512x16xi32>
    %add3A_66 = arith.addi %rem3A_54, %add3A : vector<512x16xi32>
    %select_n3A_67 = arith.select %and3A_65, %add3A_66, %rem3A_54 : vector<512x16xi1>, vector<512x16xi32>
    %eq3A_68 = arith.cmpi eq, %select_n3A_67, %iota3A_47 : vector<512x16xi32>
    %convert_element_type3A_69 = arith.extui %eq3A_68 : vector<512x16xi1> to vector<512x16xi32>
    %convert_element_type3A_70 = arith.sitofp %convert_element_type3A_69 : vector<512x16xi32> to vector<512x16xf32>
    %dot_general3A = arith.constant dense<0.000000e+00> : vector<512x16xf32>
    %dot_general3A_71 = tpu.matmul %convert_element_type3A_45, %select_n3A, %dot_general3A {dimension_numbers = #tpu.dot_dimension_numbers<[1], [0], [0], [1], [0, 0, 1, 1], [], []>, transpose_lhs_hint = false} : vector<512x32xf32>, vector<32x16xf32>, vector<512x16xf32> -> vector<512x16xf32>
    %mul3A_72 = arith.mulf %dot_general3A_71, %convert_element_type3A_70 : vector<512x16xf32>
    %reduce_sum3A = arith.constant dense<0.000000e+00> : vector<512xf32>
    %reduce_sum3A_73 = vector.multi_reduction <add>, %mul3A_72, %reduce_sum3A [1] : vector<512x16xf32> to vector<512xf32>
    %broadcast_in_dim3A_74 = vector.shape_cast %reduce_sum3A_73 : vector<512xf32> to vector<512x1xf32>
    %iota3A_75 = tpu.iota {dimensions = array<i32: 1>} : vector<512x256xi32>
    %convert_element_type3A_76 = arith.sitofp %iota3A_75 : vector<512x256xi32> to vector<512x256xf32>
    %eq3A_77 = vector.broadcast %broadcast_in_dim3A_74 : vector<512x1xf32> to vector<512x256xf32>
    %eq3A_78 = arith.cmpf oeq, %eq3A_77, %convert_element_type3A_76 : vector<512x256xf32>
    %convert_element_type3A_79 = arith.extui %eq3A_78 : vector<512x256xi1> to vector<512x256xi32>
    %convert_element_type3A_80 = arith.sitofp %convert_element_type3A_79 : vector<512x256xi32> to vector<512x256xf32>
    %dot_general3A_81 = arith.constant dense<0.000000e+00> : vector<256x512xf32>
    %dot_general3A_82 = tpu.matmul %convert_element_type3A_80, %get3A_7, %dot_general3A_81 {dimension_numbers = #tpu.dot_dimension_numbers<[0], [0], [1], [1], [0, 1, 1, 1], [], []>, transpose_lhs_hint = false} : vector<512x256xf32>, vector<512x512xf32>, vector<256x512xf32> -> vector<256x512xf32>
    %dot_general3A_83 = arith.constant dense<0.000000e+00> : vector<256x512xf32>
    %dot_general3A_84 = tpu.matmul %convert_element_type3A_80, %reshape3A, %dot_general3A_83 {dimension_numbers = #tpu.dot_dimension_numbers<[0], [0], [1], [1], [0, 1, 1, 1], [], []>, transpose_lhs_hint = false} : vector<512x256xf32>, vector<512x512xf32>, vector<256x512xf32> -> vector<256x512xf32>
    %get3A_85 = arith.constant 0 : index
    %get3A_86 = arith.constant 0 : index
    %get3A_87 = vector.load %arg4[%get3A_85, %get3A_86] : memref<512x512xf32, #tpu.memory_space<vmem>>, vector<512x512xf32>
    %dot_general3A_88 = arith.constant dense<0.000000e+00> : vector<256x512xf32>
    %dot_general3A_89 = tpu.matmul %dot_general3A_82, %get3A_87, %dot_general3A_88 {dimension_numbers = #tpu.dot_dimension_numbers<[1], [0], [0], [1], [0, 0, 1, 1], [], []>, transpose_lhs_hint = false} : vector<256x512xf32>, vector<512x512xf32>, vector<256x512xf32> -> vector<256x512xf32>
    %eq3A_90 = arith.constant 0 : i32
    %eq3A_91 = arith.cmpi eq, %arg0, %eq3A_90 : i32
    %convert_element_type3A_92 = arith.extui %eq3A_91 : i1 to i32
    %cond3A_93 = arith.constant 0 : i32
    %cond3A_94 = arith.cmpi ne, %convert_element_type3A_92, %cond3A_93 : i32
    scf.if %cond3A_94 {
      tpu.wait_dma2 semaphore(%arg12 : memref<!tpu.dma_semaphore, #tpu.memory_space<semaphore_mem>>) src(%arg5 : memref<512x1536xf32, #tpu.memory_space<any>>) dst(%arg10 : memref<512x1536xf32, #tpu.memory_space<vmem>>)
      tpu.wait_dma2 semaphore(%arg13 : memref<!tpu.dma_semaphore, #tpu.memory_space<semaphore_mem>>) src(%arg6 : memref<512x1536xf32, #tpu.memory_space<any>>) dst(%arg11 : memref<512x1536xf32, #tpu.memory_space<vmem>>)
    } else {
    }
    %get3A_95 = arith.constant 0 : index
    %get3A_96 = arith.constant 0 : index
    %get3A_97 = vector.load %arg10[%get3A_95, %get3A_96] : memref<512x1536xf32, #tpu.memory_space<vmem>>, vector<512x1536xf32>
    %dot_general3A_98 = arith.constant dense<0.000000e+00> : vector<256x1536xf32>
    %dot_general3A_99 = tpu.matmul %dot_general3A_89, %get3A_97, %dot_general3A_98 {dimension_numbers = #tpu.dot_dimension_numbers<[1], [0], [0], [1], [0, 0, 1, 1], [], []>, transpose_lhs_hint = false} : vector<256x512xf32>, vector<512x1536xf32>, vector<256x1536xf32> -> vector<256x1536xf32>
    %get3A_100 = arith.constant 0 : index
    %get3A_101 = arith.constant 0 : index
    %get3A_102 = vector.load %arg7[%get3A_100, %get3A_101] : memref<1x1536xf32, #tpu.memory_space<vmem>>, vector<1x1536xf32>
    %add3A_103 = vector.broadcast %get3A_102 : vector<1x1536xf32> to vector<256x1536xf32>
    %add3A_104 = arith.addf %dot_general3A_99, %add3A_103 : vector<256x1536xf32>
    %get3A_105 = arith.constant 0 : index
    %get3A_106 = arith.constant 0 : index
    %get3A_107 = vector.load %arg11[%get3A_105, %get3A_106] : memref<512x1536xf32, #tpu.memory_space<vmem>>, vector<512x1536xf32>
    %dot_general3A_108 = arith.constant dense<0.000000e+00> : vector<256x1536xf32>
    %dot_general3A_109 = tpu.matmul %dot_general3A_84, %get3A_107, %dot_general3A_108 {dimension_numbers = #tpu.dot_dimension_numbers<[1], [0], [0], [1], [0, 0, 1, 1], [], []>, transpose_lhs_hint = false} : vector<256x512xf32>, vector<512x1536xf32>, vector<256x1536xf32> -> vector<256x1536xf32>
    %get3A_110 = arith.constant 0 : index
    %get3A_111 = arith.constant 0 : index
    %get3A_112 = vector.load %arg8[%get3A_110, %get3A_111] : memref<1x1536xf32, #tpu.memory_space<vmem>>, vector<1x1536xf32>
    %add3A_113 = vector.broadcast %get3A_112 : vector<1x1536xf32> to vector<256x1536xf32>
    %add3A_114 = arith.addf %dot_general3A_109, %add3A_113 : vector<256x1536xf32>
    %slice3A = vector.extract_strided_slice %add3A_104 {offsets = [0, 0], sizes = [256, 512], strides = [1, 1]} : vector<256x1536xf32> to vector<256x512xf32>
    %slice3A_115 = vector.extract_strided_slice %add3A_104 {offsets = [0, 512], sizes = [256, 512], strides = [1, 1]} : vector<256x1536xf32> to vector<256x512xf32>
    %slice3A_116 = vector.extract_strided_slice %add3A_104 {offsets = [0, 1024], sizes = [256, 512], strides = [1, 1]} : vector<256x1536xf32> to vector<256x512xf32>
    %slice3A_117 = vector.extract_strided_slice %add3A_114 {offsets = [0, 0], sizes = [256, 512], strides = [1, 1]} : vector<256x1536xf32> to vector<256x512xf32>
    %slice3A_118 = vector.extract_strided_slice %add3A_114 {offsets = [0, 512], sizes = [256, 512], strides = [1, 1]} : vector<256x1536xf32> to vector<256x512xf32>
    %slice3A_119 = vector.extract_strided_slice %add3A_114 {offsets = [0, 1024], sizes = [256, 512], strides = [1, 1]} : vector<256x1536xf32> to vector<256x512xf32>
    %add3A_120 = arith.addf %slice3A, %slice3A_117 : vector<256x512xf32>
    %logistic3A = arith.negf %add3A_120 : vector<256x512xf32>
    %logistic3A_121 = math.exp %logistic3A : vector<256x512xf32>
    %logistic3A_122 = arith.constant 1.000000e+00 : f32
    %logistic3A_123 = vector.broadcast %logistic3A_122 : f32 to vector<256x512xf32>
    %logistic3A_124 = arith.addf %logistic3A_123, %logistic3A_121 : vector<256x512xf32>
    %logistic3A_125 = arith.divf %logistic3A_123, %logistic3A_124 : vector<256x512xf32>
    %add3A_126 = arith.addf %slice3A_115, %slice3A_118 : vector<256x512xf32>
    %logistic3A_127 = arith.negf %add3A_126 : vector<256x512xf32>
    %logistic3A_128 = math.exp %logistic3A_127 : vector<256x512xf32>
    %logistic3A_129 = arith.constant 1.000000e+00 : f32
    %logistic3A_130 = vector.broadcast %logistic3A_129 : f32 to vector<256x512xf32>
    %logistic3A_131 = arith.addf %logistic3A_130, %logistic3A_128 : vector<256x512xf32>
    %logistic3A_132 = arith.divf %logistic3A_130, %logistic3A_131 : vector<256x512xf32>
    %mul3A_133 = arith.mulf %logistic3A_125, %slice3A_119 : vector<256x512xf32>
    %add3A_134 = arith.addf %slice3A_116, %mul3A_133 : vector<256x512xf32>
    %tanh3A = math.tanh %add3A_134 : vector<256x512xf32>
    %sub3A_135 = arith.constant 1.000000e+00 : f32
    %sub3A_136 = vector.broadcast %sub3A_135 : f32 to vector<256x512xf32>
    %sub3A_137 = arith.subf %sub3A_136, %logistic3A_132 : vector<256x512xf32>
    %sub3A_138 = arith.subf %tanh3A, %dot_general3A_84 : vector<256x512xf32>
    %mul3A_139 = arith.mulf %sub3A_137, %sub3A_138 : vector<256x512xf32>
    %dot_general3A_140 = arith.constant dense<0.000000e+00> : vector<512x512xf32>
    %dot_general3A_141 = tpu.matmul %convert_element_type3A_80, %mul3A_139, %dot_general3A_140 {dimension_numbers = #tpu.dot_dimension_numbers<[1], [0], [0], [1], [0, 0, 1, 1], [], []>, transpose_lhs_hint = false} : vector<512x256xf32>, vector<256x512xf32>, vector<512x512xf32> -> vector<512x512xf32>
    %add3A_142 = arith.addf %reshape3A, %dot_general3A_141 : vector<512x512xf32>
    %reshape3A_143 = vector.shape_cast %add3A_142 : vector<512x512xf32> to vector<32x16x512xf32>
    %swap3A = arith.constant 0 : index
    %swap3A_144 = arith.constant 0 : index
    %swap3A_145 = arith.constant 0 : index
    %swap3A_146 = vector.load %arg9[%swap3A, %swap3A_144, %swap3A_145] : memref<32x16x512xf32, #tpu.memory_space<vmem>>, vector<32x16x512xf32>
    tpu.vector_store %arg9[%swap3A, %swap3A_144, %swap3A_145], %reshape3A_143 {strides = array<i32>} : memref<32x16x512xf32, #tpu.memory_space<vmem>>, vector<32x16x512xf32>,
    return
  }
  func.func @transform_0(%arg0: i32) -> (i32, i32) {
    %c0_i32 = arith.constant 0 : i32
    %c0_i32_0 = arith.constant 0 : i32
    return %arg0, %c0_i32 : i32, i32
  }
  func.func @transform_1(%arg0: i32) -> (i32, i32, i32) {
    %c0_i32 = arith.constant 0 : i32
    %c0_i32_0 = arith.constant 0 : i32
    %c0_i32_1 = arith.constant 0 : i32
    return %arg0, %c0_i32, %c0_i32_0 : i32, i32, i32
  }
  func.func @transform_2(%arg0: i32) -> (i32, i32) {
    %c0_i32 = arith.constant 0 : i32
    %c0_i32_0 = arith.constant 0 : i32
    return %arg0, %c0_i32 : i32, i32
  }
  func.func @transform_3(%arg0: i32) -> (i32, i32) {
    %c0_i32 = arith.constant 0 : i32
    %c0_i32_0 = arith.constant 0 : i32
    %c0_i32_1 = arith.constant 0 : i32
    return %c0_i32, %c0_i32_0 : i32, i32
  }
  func.func @transform_6(%arg0: i32) -> (i32, i32) {
    %c0_i32 = arith.constant 0 : i32
    %c0_i32_0 = arith.constant 0 : i32
    %c0_i32_1 = arith.constant 0 : i32
    return %c0_i32, %c0_i32_0 : i32, i32
  }
  func.func @transform_7(%arg0: i32) -> (i32, i32) {
    %c0_i32 = arith.constant 0 : i32
    %c0_i32_0 = arith.constant 0 : i32
    %c0_i32_1 = arith.constant 0 : i32
    return %c0_i32, %c0_i32_0 : i32, i32
  }
  func.func @transform_8(%arg0: i32) -> (i32, i32, i32) {
    %c0_i32 = arith.constant 0 : i32
    %c0_i32_0 = arith.constant 0 : i32
    %c0_i32_1 = arith.constant 0 : i32
    return %arg0, %c0_i32, %c0_i32_0 : i32, i32, i32
  }
}

</mosaic_0001>

<sc_bundles>
// kernel: _run.5.cloned.1.call-start
scs
__scs_entry_jumppad:
0x0: {  	(pc) =	sbr.rel $0x88, $3  }
0x1: {  	(tag) =	ssettag $0x0;
	lr =	simm.s32 $0x1  }
0x2: {  	[smem:$0x3F98] =	sst lr;
	_ =	strace $0xD0000000  }
0x3: {  	_ = 	snop  }
0x4: {  	_ = 	snop  }
0x5: {  	_ = 	snop  }
0x6: {  	_ = 	snop  }
0x7: {  	_ = 	snop  }
__scs_overlays_trampoline_lowered:
0x8: {  	[smem:$0x3FA7] =	sst s0  }
0x9: {  	[smem:$0x3FA8] =	sst s1  }
0xa: {  	[smem:$0x3FA9] =	sst s2  }
0xb: {  	[smem:$0x3FAA] =	sst s3  }
0xc: {  	[smem:$0x3FAB] =	sst s4  }
0xd: {  	[smem:$0x3FAC] =	sst s5  }
0xe: {  	[smem:$0x3FAD] =	sst s6  }
0xf: {  	[smem:$0x3FAE] =	sst s7  }
0x10: {  	[smem:$0x3FAF] =	sst s8  }
0x11: {  	[smem:$0x3FB0] =	sst s9;
	s0 =	simm.s32 @!p0 $0x0  }
0x12: {  	s1 =	sld [smem:$0x3F96];
	s0 =	simm.s32 @p0 $0x1  }
0x13: {  	[smem:$0x3FB1] =	sst s0;
	s0 =	simm.s32 @!p1 $0x0  }
0x14: {  	s2 =	sld [smem:$0x3F95];
	s0 =	simm.s32 @p1 $0x1  }
0x15: {  	[smem:$0x3FB2] =	sst s0;
	s0 =	simm.s32 @!p2 $0x0  }
0x16: {  	s3 =	sld [smem:$0x3FDB];
	s0 =	simm.s32 @p2 $0x1  }
0x17: {  	s4 =	simm.s32 $0x1BF5;
	[smem:$0x3FB4] =	sst s0  }
0x18: {  	s0 =	sld [smem:$0x3F97];
	_ =	swait.ge [sflag:s4], $0x0  }
0x19: {  	s7 =	sld [smem:$0x3F98]  }
0x1a: {  	s8 =	sadd.s32 $0xFFFFE003, lr  }
0x1b: {  	s9 =	sadd.s32 $0xFFFFFEF7, lr;
	s5 =	simm.s32 $0xFFFFFFFF;
	p2 =	slt.u32 s8, $0xFFFFF086  }
0x1c: {  	p1 =	slt.u32 s9, $0xF7A;
	s5 =	simm.s32 @!p2 $0x0  }
0x1d: {  	s5 =	simm.s32 @p1 $0x1;
	p0 =	seq.s32 s7, s2  }
0x1e: {  	s7 =	smul.u32 @!p0 $0xF7A, s2;
	p2 =	seq.s32 @!p0 s5, $0x0  }
0x1f: {  	s9 =	smul.u32 $0xF7A, s1;
	s8 =	simm.s32 @!p0 $0x1BF5;
	p2 =	por !p2, p0  }
0x20: {  	[sflag:s8] =	ssyncset.s32 @!p0 $0xFFFFF086;
	s6 =	sadd.s32 @!p0 s3, s7;
	s7 =	simm.s32 @!p0 $0x108  }
0x21: {  	s3 =	sadd.s32 s3, s9;
	s6 =	sadd.s32 @!p0 $0x88, s6;
	s7 =	simm.s32 @p2 $0x1082  }
0x22: {  	[simem:s7], [sflag:s8] =	dma.local @!p0 [hbm:s6], $0xF7A  }
0x23: {  	s9 =	sor.u32 $0xD0000000, s2;
	s6 =	simm.s32 $0x108;
	_ =	swait.ge @!p0 [sflag:s8], $0x0  }
0x24: {  	s3 =	sadd.s32 $0x88, s3;
	s6 =	simm.s32 @!p1 $0x1082;
	[sflag:s4] =	ssyncset.s32 $0xFFFFF086  }
0x25: {  	[simem:s6], [sflag:s4] =	dma.local [hbm:s3], $0xF7A  }
0x26: {  	[smem:$0x3F98] =	sst s1;
	(tag) =	ssettag s2;
	_ =	strace s9  }
0x27: {  	s1 =	sld [smem:$0x3FA8]  }
0x28: {  	s2 =	sld [smem:$0x3FA9]  }
0x29: {  	s4 =	sld [smem:$0x3FAB]  }
0x2a: {  	p0 =	seq.s32 s5, $0x0;
	s5 =	sld [smem:$0x3FAC]  }
0x2b: {  	s6 =	sld [smem:$0x3FAD]  }
0x2c: {  	s7 =	sld [smem:$0x3FAE]  }
0x2d: {  	s3 =	simm.s32 $0x108;
	s8 =	sld [smem:$0x3FAF]  }
0x2e: {  	s3 =	simm.s32 @!p0 $0x1082;
	s9 =	sld [smem:$0x3FB0]  }
0x2f: {  	lr =	sadd.s32 s0, s3;
	s0 =	sld [smem:$0x3FA7]  }
0x30: {  	s3 =	sld [smem:$0x3FAA]  }
0x31: {  	[smem:$0x3FB3] =	sst s10  }
0x32: {  	s10 =	sld [smem:$0x3FB1];
	_ =	sdelay $0x3  }
0x33: {  	p0 =	seq.s32 s10, $0x1;
	s10 =	sld [smem:$0x3FB3];
	_ =	sdelay $0x3  }
0x34: {  	[smem:$0x3FB3] =	sst s10  }
0x35: {  	s10 =	sld [smem:$0x3FB2];
	_ =	sdelay $0x3  }
0x36: {  	p1 =	seq.s32 s10, $0x1;
	s10 =	sld [smem:$0x3FB3];
	_ =	sdelay $0x3  }
0x37: {  	[smem:$0x3FB3] =	sst s10  }
0x38: {  	s10 =	sld [smem:$0x3FB4]  }
0x39: {  	_ = 	snop;
	(pc) =	sbr.ind lr, $3  }
0x3a: {  	_ = 	snop  }
0x3b: {  	_ = 	snop  }
0x3c: {  	p2 =	seq.s32 s10, $0x1;
	s10 =	sld [smem:$0x3FB3]  }
0x3d: {  	_ =	shalt  }
0x3e: {  	_ =	shalt  }
0x3f: {  	_ =	shalt  }
0x40: {  	_ =	shalt  }
0x41: {  	_ =	shalt  }
0x42: {  	_ =	shalt  }
0x43: {  	_ =	shalt  }
0x44: {  	_ =	shalt  }
0x45: {  	_ =	shalt  }
0x46: {  	_ =	shalt  }
0x47: {  	_ =	shalt  }
0x48: {  	_ =	shalt  }
0x49: {  	_ =	shalt  }
0x4a: {  	_ =	shalt  }
0x4b: {  	_ =	shalt  }
0x4c: {  	_ =	shalt  }
0x4d: {  	_ =	shalt  }
0x4e: {  	_ =	shalt  }
0x4f: {  	_ =	shalt  }
0x50: {  	_ =	shalt  }
0x51: {  	_ =	shalt  }
0x52: {  	_ =	shalt  }
0x53: {  	_ =	shalt  }
0x54: {  	_ =	shalt  }
0x55: {  	_ =	shalt  }
0x56: {  	_ =	shalt  }
0x57: {  	_ =	shalt  }
0x58: {  	_ =	shalt  }
0x59: {  	_ =	shalt  }
0x5a: {  	_ =	shalt  }
0x5b: {  	_ =	shalt  }
0x5c: {  	_ =	shalt  }
0x5d: {  	_ =	shalt  }
0x5e: {  	_ =	shalt  }
0x5f: {  	_ =	shalt  }
0x60: {  	_ =	shalt  }
0x61: {  	_ =	shalt  }
0x62: {  	_ =	shalt  }
0x63: {  	_ =	shalt  }
0x64: {  	_ =	shalt  }
0x65: {  	_ =	shalt  }
0x66: {  	_ =	shalt  }
0x67: {  	_ =	shalt  }
0x68: {  	_ =	shalt  }
0x69: {  	_ =	shalt  }
0x6a: {  	_ =	shalt  }
0x6b: {  	_ =	shalt  }
0x6c: {  	_ =	shalt  }
0x6d: {  	_ =	shalt  }
0x6e: {  	_ =	shalt  }
0x6f: {  	_ =	shalt  }
0x70: {  	_ =	shalt  }
0x71: {  	_ =	shalt  }
0x72: {  	_ =	shalt  }
0x73: {  	_ =	shalt  }
0x74: {  	_ =	shalt  }
0x75: {  	_ =	shalt  }
0x76: {  	_ =	shalt  }
0x77: {  	_ =	shalt  }
0x78: {  	_ =	shalt  }
0x79: {  	_ =	shalt  }
0x7a: {  	_ =	shalt  }
0x7b: {  	_ =	shalt  }
0x7c: {  	_ =	shalt  }
0x7d: {  	_ =	shalt  }
0x7e: {  	_ =	shalt  }
0x7f: {  	_ =	shalt  }
0x80: {  	_ =	shalt  }
0x81: {  	_ =	shalt  }
0x82: {  	_ =	shalt  }
0x83: {  	_ =	shalt  }
0x84: {  	_ =	shalt  }
0x85: {  	_ =	shalt  }
0x86: {  	_ =	shalt  }
0x87: {  	_ =	shalt  }
.Lfunc_end0:
.L_simem_size_0:
called_computation_lowered:
.L_overlay_start_0:
0x88: {  	s2 =	sld [smem:$0x3FD9]  }
0x89: {  	s3 =	sld [smem:$0x3FFE];
	_ =	sdelay $0x1  }
0x8a: {  	s1 =	srdreg.scid  }
0x8b: {  	s0 =	sand.u32 $0x1, s1  }
0x8c: {  	s17 =	sshll.u32 s0, $0xA;
	s2 =	sadd.s32 s3, s2  }
0x8d: {  	s2 =	sadd.s32 s2, s17  }
0x8e: {  	[smem:$0x3FBF] =	sst s2  }
0x8f: {  	_ = 	snop  }
0x90: {  	s2 =	sld [smem:$0x3FD0];
	(tm) =	ssettm $0x1  }
0x91: {  	s18 =	sld [smem:$0x3FFB];
	_ =	sdelay $0x3  }
0x92: {  	_ =	strace s18  }
0x93: {  	s3 =	sld [smem:$0x3FFC];
	_ =	sdelay $0x3  }
0x94: {  	_ =	strace s3  }
0x95: {  	s3 =	sld [smem:$0x3FFD];
	_ =	sdelay $0x3  }
0x96: {  	_ =	strace s3  }
0x97: {  	_ =	strace $0x8FFFFFFF  }
0x98: {  	s19 =	sld [smem:$0x3FDB];
	_ =	sdelay $0x1  }
0x99: {  	s4 =	simm.s32 $_scs_section_size  }
0x9a: {  	s5 =	simm.s32 $_size__tile_overlayer_lowered;
	s6 =	simm.s32 $_tile_overlayer_lowered  }
0x9b: {  	s22 =	simm.s32 $0x1BFF;
	s21 =	sshll.u32 s6, $0x1;
	s3 =	sadd.s32 s4, s19  }
0x9c: {  	s7 =	simm.s32 $0x0;
	s20 =	sshll.u32 s5, $0x1;
	s5 =	sadd.s32 s21, s3  }
0x9d: {  	[timem:s7], [sflag:s22] =	dma.local [hbm:s5], s20  }
0x9e: {  	_ =	swait.ge [sflag:s22], s20  }
0x9f: {  	s4 =	ssub.s32 $0x0, s20;
	[sflag:s22] =	ssyncset.done $0x0  }
0xa0: {  	[sflag:s22] =	ssyncadd.s32 s4;
	_ =	sdelay $0x1  }
0xa1: {  	s23 =	simm.s32 $0x1B8B  }
0xa2: {  	_ =	swait.ge [sflag:s23], $0x1  }
0xa3: {  	[sflag:s23] =	ssyncset.done $0x0  }
0xa4: {  	s25 =	simm.s32 $0x1B8E;
	s24 =	sld [smem:$0x3FFE];
	[sflag:s23] =	ssyncadd.s32 $0xFFFFFFFF  }
0xa5: {  	s26 =	simm.s32 $execute0_lowered;
	[smem:$0x3FD2] =	sst s25  }
0xa6: {  	s5 =	sshll.u32 s26, $0x1;
	_ =	strace $0x80000046;
	[dreg:$0x1] =	wrdreg $0xFFFFFFFF  }
0xa7: {  	s28 =	simm.s32 $_size_execute0_lowered;
	s3 =	sadd.s32 s3, s5;
	[dreg:$0x0] =	wrdreg $0x0  }
0xa8: {  	s5 =	sshll.u32 s28, $0x1;
	[dreg:$0x2] =	wrdreg s3  }
0xa9: {  	[dreg:$0x3] =	wrdreg s5  }
0xaa: {  	[dreg:$0x4] =	wrdreg $0xC0  }
0xab: {  	_ =	task [dreg:s7], $0x5FFFF  }
0xac: {  	[dreg:$0x1] =	wrdreg $0xFFFFFFFF  }
0xad: {  	[dreg:$0x0] =	wrdreg $0x60  }
0xae: {  	[dreg:$0x2] =	wrdreg s2  }
0xaf: {  	[dreg:$0x3] =	wrdreg s24  }
0xb0: {  	[dreg:$0x4] =	wrdreg $0x9  }
0xb1: {  	_ =	task.clear_ibuf [dreg:s7], $0x5FFFF;
	_ =	strace $0x90000046  }
0xb2: {  	s29 =	simm.s32 $0x9;
	_ =	strace $0x80000048  }
0xb3: {  	_ =	swait.ge [sflag:s29], $0x1  }
0xb4: {  	[sflag:s29] =	ssyncadd.s32 $0xFFFFFFFF  }
0xb5: {  	_ =	strace $0x90000048  }
0xb6: {  	_ =	sfence  }
0xb7: {  	s30 =	sld [smem:$0x0];
	_ =	sdelay $0x2  }
0xb8: {  	s31 =	sshll.u32 s1, $0xD;
	s1 =	sshrl.u32 s1, $0x2  }
0xb9: {  	s3 =	sand.u32 $0x4000, s31;
	s1 =	sadd.s32 s1, s30  }
0xba: {  	s0 =	sor.u32 s3, s0;
	s1 =	sshll.u32 s1, $0x11  }
0xbb: {  	s0 =	sor.u32 s1, s0  }
0xbc: {  	s0 =	sadd.s32 $0x8F2B, s0  }
0xbd: {  	[sflag:s0] =	ssyncadd.remote.s32 $0x1  }
0xbe: {  	_ =	sfence.sel $0xFFFF  }
0xbf: {  	[dreg:$0x0] =	wrdreg $0xFFFFFFFF;
	(pc) =	sbr.abs _section_cstart, $3  }
0xc0: {  	[dreg:$0x1] =	wrdreg $0xFFFFFFFF  }
0xc1: {  	_ =	task.clear_ibuf [dreg:s7], $0x2FFFF;
	_ =	strace $0x9FFFFFFF  }
0xc2: {  	(tm) =	ssettm $0x7FFFFFFF  }
0xc3: {  	_ =	shalt  }
tec
execute0_lowered:
.L_overlay_start_1:
0x0: {  	(tag) =	ssettag $0x1  }
0x1: {  	s0 =	srdreg.scid  }
0x2: {  	s3 =	sand.u32 $0x1, s0  }
0x3: {  	s5 =	rddreg [dreg:$0x0];
	s0 =	stileid.u32;
	s1 =	sshll.u32 s3, $0x4  }
0x4: {  	s6 =	rddreg [dreg:$0x1];
	s3 =	ssub.s32 $0x2, s3;
	s4 =	sor.u32 s0, s1  }
0x5: {  	s8 =	simm.s32 $0x2;
	s7 =	sshrl.u32 s3, $0x1;
	s1 =	sshll.u32 s4, $0x5  }
0x6: {  	s4 =	sshll.u32 s4, $0x3;
	s7 =	ssub.s32 s3, s7;
	s2 =	sor.u32 $0x8, s1  }
0x7: {  	v4 =	vimm.s32 $0x0;
	v0 =	vmov s1;
	s31 =	sor.u32 $0x10, s1;
	s1 =	sor.u32 $0x18, s1;
	s6 =	sadd.s32 s4, s6  }
0x8: {  	vm5 =	vcmask $0x3F0C;
	s3 =	sadd.s32 s5, s4;
	v1 =	vmov s2;
	v3 =	vmov s1;
	s1 =	rddreg [dreg:$0x2];
	s2 =	simm.s32 $0x0  }
0x9: {  	vm8 =	vcmask $0x3F10;
	vm7 =	vcmask $0x3F18;
	vm9 =	vcmask $0x3F1C;
	s5 =	smax.u32 s7, $0x1;
	s7 =	simm.s32 $0x80;
	[smem:$0x7FF] =	sst s2  }
0xa: {  	vm11 =	vcmask $0x3F24;
	vm13 =	vcmask $0x3F2C;
	v2 =	vmov s31;
	s4 =	sadd.s32 $0x1A00, s6;
	s6 =	simm.s32 $0x1;
	_ =	strace $0x80000047  }
.LBB2_1:
0xb: {  	[tilespmem:s2], [sflag:$0x1] =	stream.linear.gather [hbm4b:s3+s2], $0x40, $0x38;
	[tilespmem:$0x100] =	vst v63  }
0xc: {  	_ =	swait.ge [sflag:s6], $0x40  }
0xd: {  	[sflag:s6] =	ssyncset.done $0x0  }
0xe: {  	[sflag:s6] =	ssyncadd.s32 $0xFFFFFFC0  }
0xf: {  	v5 =	vld [tilespmem:$0x0];
	_ =	sdelay $0x2  }
0x10: {  	v46 =	vld [tilespmem:$0x20]  }
0x11: {  	vm3 =	vcmask $0x3F04;
	vm4 =	vcmask $0x3F08;
	vm10 =	vcmask $0x3F20  }
0x12: {  	vm12 =	vcmask $0x3F28;
	v6 =	vbroadcast v5, $0x0;
	v7 =	vbroadcast v5, $0x2  }
0x13: {  	vm14 =	vcmask $0x3F30;
	v10 =	vbroadcast v5, $0x5;
	v13 =	vbroadcast v5, $0x8  }
0x14: {  	vm6 =	vcmask $0x3F3C;
	v63 =	vbroadcast v5, $0xF;
	v21 =	vbroadcast v5, $0xE  }
0x15: {  	v48 =	vbroadcast v46, $0x1;
	v51 =	vbroadcast v46, $0x4;
	vm15 =	veq.f32 v6, v5  }
0x16: {  	vm0 =	vlt.f32 v6, v5;
	v6 =	vbroadcast v5, $0x1;
	vm15 =	vmand vm15, vm3  }
0x17: {  	v55 =	vbroadcast v46, $0x7;
	v58 =	vbroadcast v46, $0x9;
	vm0 =	vmor vm0, vm15  }
0x18: {  	vm1 =	veq.f32 v7, v5;
	vm15 =	veq.f32 v6, v5;
	v8 =	vsel vm0, $0x1, v4  }
0x19: {  	vm0 =	vlt.f32 v6, v5;
	vm15 =	vmand vm15, vm4;
	v6 =	vbroadcast v5, $0x3  }
0x1a: {  	vm1 =	vmand vm1, vm5;
	vm0 =	vmor vm0, vm15;
	vm15 =	vlt.f32 v7, v5  }
0x1b: {  	v7 =	vsel vm0, $0x1, v4;
	vm0 =	vmor vm15, vm1;
	vm1 =	veq.f32 v6, v5  }
0x1c: {  	vm15 =	vlt.f32 v6, v5;
	v6 =	vbroadcast v5, $0x4;
	vm1 =	vmand vm1, vm8  }
0x1d: {  	vm4 =	vcmask $0x3F14;
	v9 =	vsel vm0, $0x1, v4;
	vm0 =	vmor vm15, vm1  }
0x1e: {  	vm1 =	veq.f32 v6, v5;
	vm15 =	veq.f32 v10, v5;
	v11 =	vsel vm0, $0x1, v4  }
0x1f: {  	vm0 =	vlt.f32 v6, v5;
	vm1 =	vmand vm1, vm4;
	v6 =	vbroadcast v5, $0x6  }
0x20: {  	vm15 =	vmand vm15, vm7;
	vm0 =	vmor vm0, vm1;
	vm1 =	vlt.f32 v10, v5  }
0x21: {  	v60 =	vbroadcast v46, $0xA;
	v62 =	vsel vm0, $0x1, v4;
	vm0 =	vmor vm1, vm15  }
0x22: {  	vm1 =	veq.f32 v6, v5;
	vm15 =	vlt.f32 v6, v5;
	v6 =	vbroadcast v5, $0x7  }
0x23: {  	v61 =	vbroadcast v46, $0xB;
	vm3 =	vcmask $0x3F38;
	vm1 =	vmand vm1, vm9  }
0x24: {  	v12 =	vsel vm0, $0x1, v4;
	vm0 =	vmor vm15, vm1;
	vm1 =	veq.f32 v6, v5  }
0x25: {  	vm15 =	veq.f32 v13, v5;
	v14 =	vsel vm0, $0x1, v4;
	vm0 =	vlt.f32 v6, v5  }
0x26: {  	vm1 =	vmand vm1, vm10;
	v6 =	vbroadcast v5, $0x9;
	vm15 =	vmand vm15, vm11  }
0x27: {  	vm10 =	vcmask $0x3F08;
	vm0 =	vmor vm0, vm1;
	vm1 =	vlt.f32 v13, v5  }
0x28: {  	vm1 =	vmor vm1, vm15;
	vm15 =	vlt.f32 v6, v5;
	vm2 =	veq.f32 v6, v5  }
0x29: {  	v6 =	vbroadcast v5, $0xA;
	v15 =	vsel vm0, $0x1, v4;
	vm2 =	vmand vm2, vm12  }
0x2a: {  	v16 =	vsel vm1, $0x1, v4;
	vm12 =	vcmask $0x3F20;
	vm0 =	vmor vm15, vm2  }
0x2b: {  	vm1 =	vlt.f32 v6, v5;
	vm2 =	veq.f32 v6, v5;
	vm15 =	vlt.f32 v63, v5  }
0x2c: {  	v6 =	vbroadcast v5, $0xB;
	vm2 =	vmand vm2, vm13;
	v13 =	vsel vm15, $0x1, v4  }
0x2d: {  	v17 =	vsel vm0, $0x1, v4;
	vm0 =	vmor vm1, vm2;
	v7 =	vadd.s32 v13, v7  }
0x2e: {  	vm1 =	vlt.f32 v6, v5;
	vm2 =	veq.f32 v6, v5;
	v6 =	vadd.s32 v8, v7  }
0x2f: {  	vm2 =	vmand vm2, vm14;
	v7 =	vbroadcast v5, $0xC;
	v19 =	vsel vm0, $0x1, v4  }
0x30: {  	vm14 =	vcmask $0x3F34;
	v6 =	vadd.s32 v9, v6;
	vm0 =	vmor vm1, vm2  }
0x31: {  	v6 =	vadd.s32 v11, v6;
	vm1 =	vlt.f32 v7, v5;
	vm2 =	veq.f32 v7, v5  }
0x32: {  	v7 =	vbroadcast v5, $0xD;
	v6 =	vadd.s32 v62, v6;
	vm2 =	vmand vm2, vm14  }
0x33: {  	v20 =	vsel vm0, $0x1, v4;
	v6 =	vadd.s32 v12, v6;
	vm0 =	vmor vm1, vm2  }
0x34: {  	vm1 =	vlt.f32 v7, v5;
	vm2 =	veq.f32 v7, v5;
	v7 =	vld [tilespmem:$0x10];
	v6 =	vadd.s32 v14, v6  }
0x35: {  	vm2 =	vmand vm2, vm3;
	v22 =	vsel vm0, $0x1, v4;
	vm3 =	vcmask $0x3F28  }
0x36: {  	v6 =	vadd.s32 v15, v6;
	vm0 =	vmor vm1, vm2;
	vm1 =	vlt.f32 v21, v5  }
0x37: {  	vm2 =	vcmask $0x3F3C;
	v6 =	vadd.s32 v16, v6;
	v23 =	vsel vm0, $0x1, v4  }
0x38: {  	vm0 =	veq.f32 v21, v5;
	v21 =	vbroadcast v46, $0xD;
	v6 =	vadd.s32 v17, v6  }
0x39: {  	vm0 =	vmand vm0, vm2;
	v25 =	vbroadcast v7, $0x1;
	v28 =	vbroadcast v7, $0x4  }
0x3a: {  	vm2 =	vcmask $0x3F04;
	v32 =	vbroadcast v7, $0x7;
	v36 =	vbroadcast v7, $0xA  }
0x3b: {  	v6 =	vadd.s32 v19, v6;
	v37 =	vbroadcast v7, $0xF;
	v38 =	vbroadcast v7, $0xB  }
0x3c: {  	vm0 =	vmor vm1, vm0;
	v41 =	vbroadcast v7, $0xC;
	v42 =	vbroadcast v7, $0xD  }
0x3d: {  	v45 =	vbroadcast v7, $0xE;
	v5 =	vadd.s32 v20, v6;
	v6 =	vbroadcast v7, $0x0  }
0x3e: {  	v19 =	vbroadcast v46, $0xC;
	v24 =	vsel vm0, $0x1, v4;
	v5 =	vadd.s32 v22, v5  }
0x3f: {  	v5 =	vadd.s32 v23, v5;
	vm0 =	vlt.f32 v6, v7;
	vm1 =	veq.f32 v6, v7  }
0x40: {  	v6 =	vbroadcast v7, $0x2;
	v5 =	vadd.s32 v24, v5;
	vm1 =	vmand vm1, vm2  }
0x41: {  	vm2 =	veq.f32 v25, v7;
	vm0 =	vmor vm0, vm1;
	vm1 =	vlt.f32 v25, v7  }
0x42: {  	vm2 =	vmand vm2, vm10;
	vm15 =	vlt.u32 v5, $0x8;
	v5 =	vadd.s32 v0, v5  }
0x43: {  	v26 =	vsel vm0, $0x1, v4;
	vm0 =	vmor vm1, vm2;
	vm1 =	veq.f32 v6, v7  }
0x44: {  	vm2 =	vlt.f32 v6, v7;
	v6 =	vbroadcast v7, $0x3;
	vm1 =	vmand vm1, vm5  }
0x45: {  	v5 =	vnsel vm15, $0xFFFFFFFF, v5;
	v27 =	vsel vm0, $0x1, v4;
	vm0 =	vmor vm2, vm1  }
0x46: {  	vm1 =	veq.f32 v6, v7;
	vm2 =	veq.f32 v28, v7;
	v29 =	vsel vm0, $0x1, v4  }
0x47: {  	vm0 =	vlt.f32 v6, v7;
	vm1 =	vmand vm1, vm8;
	v6 =	vbroadcast v7, $0x5  }
0x48: {  	vm2 =	vmand vm2, vm4;
	vm0 =	vmor vm0, vm1;
	vm1 =	vlt.f32 v28, v7  }
0x49: {  	v30 =	vsel vm0, $0x1, v4;
	vm0 =	vmor vm1, vm2;
	vm1 =	veq.f32 v6, v7  }
0x4a: {  	vm2 =	vlt.f32 v6, v7;
	v6 =	vbroadcast v7, $0x6;
	vm1 =	vmand vm1, vm7  }
0x4b: {  	vm15 =	vcmask $0x3F04;
	v31 =	vsel vm0, $0x1, v4;
	vm0 =	vmor vm2, vm1  }
0x4c: {  	vm1 =	veq.f32 v6, v7;
	vm2 =	veq.f32 v32, v7;
	v33 =	vsel vm0, $0x1, v4  }
0x4d: {  	vm0 =	vlt.f32 v6, v7;
	vm1 =	vmand vm1, vm9;
	v6 =	vbroadcast v7, $0x8  }
0x4e: {  	vm2 =	vmand vm2, vm12;
	vm0 =	vmor vm0, vm1;
	vm1 =	vlt.f32 v32, v7  }
0x4f: {  	v5 =	vcvt.s32.f32 v5;
	v34 =	vsel vm0, $0x1, v4;
	vm0 =	vmor vm1, vm2  }
0x50: {  	vm1 =	veq.f32 v6, v7;
	vm2 =	vlt.f32 v6, v7;
	v6 =	vbroadcast v7, $0x9  }
0x51: {  	v22 =	vld [tilespmem:$0x30];
	vm4 =	vcmask $0x3F30;
	v32 =	vbroadcast v46, $0xF;
	vm1 =	vmand vm1, vm11  }
0x52: {  	v35 =	vsel vm0, $0x1, v4;
	vm0 =	vmor vm2, vm1;
	vm1 =	veq.f32 v6, v7  }
0x53: {  	vm2 =	vlt.f32 v37, v7;
	v18 =	vsel vm0, $0x1, v4;
	vm0 =	vlt.f32 v6, v7  }
0x54: {  	vm1 =	vmand vm1, vm3;
	v6 =	vsel vm2, $0x1, v4;
	vm2 =	vlt.f32 v36, v7  }
0x55: {  	vm0 =	vmor vm0, vm1;
	vm1 =	veq.f32 v36, v7;
	v6 =	vadd.s32 v6, v27  }
0x56: {  	v36 =	vbroadcast v22, $0x1;
	vm1 =	vmand vm1, vm13;
	v39 =	vsel vm0, $0x1, v4  }
0x57: {  	v6 =	vadd.s32 v26, v6;
	vm0 =	veq.f32 v38, v7;
	vm1 =	vmor vm2, vm1  }
0x58: {  	v6 =	vadd.s32 v29, v6;
	vm0 =	vmand vm0, vm4;
	vm2 =	vlt.f32 v41, v7  }
0x59: {  	v40 =	vsel vm1, $0x1, v4;
	vm1 =	vlt.f32 v38, v7;
	v6 =	vadd.s32 v30, v6  }
0x5a: {  	vm0 =	vmor vm1, vm0;
	vm1 =	veq.f32 v41, v7;
	v6 =	vadd.s32 v31, v6  }
0x5b: {  	v38 =	vbroadcast v22, $0x2;
	vm1 =	vmand vm1, vm14;
	v6 =	vadd.s32 v33, v6  }
0x5c: {  	v43 =	vsel vm0, $0x1, v4;
	vm0 =	veq.f32 v42, v7;
	v33 =	vbroadcast v46, $0xE  }
0x5d: {  	vm1 =	vmor vm2, vm1;
	v6 =	vadd.s32 v34, v6;
	vm2 =	vcmask $0x3F38  }
0x5e: {  	v44 =	vsel vm1, $0x1, v4;
	v6 =	vadd.s32 v35, v6;
	vm1 =	vlt.f32 v42, v7  }
0x5f: {  	vm0 =	vmand vm0, vm2;
	vm2 =	vlt.f32 v45, v7;
	v35 =	vbroadcast v22, $0x0  }
0x60: {  	v42 =	vbroadcast v22, $0x4;
	v6 =	vadd.s32 v18, v6;
	vm0 =	vmor vm1, vm0  }
0x61: {  	vm1 =	veq.f32 v45, v7;
	v45 =	vbroadcast v22, $0x6;
	v6 =	vadd.s32 v39, v6  }
0x62: {  	vm1 =	vmand vm1, vm6;
	v7 =	vsel vm0, $0x1, v4;
	v6 =	vadd.s32 v40, v6  }
0x63: {  	vm6 =	vcmask $0x3F14;
	v39 =	vbroadcast v22, $0x3;
	v6 =	vadd.s32 v43, v6  }
0x64: {  	vm0 =	vmor vm2, vm1;
	vm2 =	veq.f32 v48, v46;
	v6 =	vadd.s32 v44, v6  }
0x65: {  	v47 =	vsel vm0, $0x1, v4;
	vm2 =	vmand vm2, vm10;
	v6 =	vadd.s32 v7, v6  }
0x66: {  	v43 =	vbroadcast v22, $0x5;
	v7 =	vbroadcast v46, $0x0;
	v6 =	vadd.s32 v47, v6  }
0x67: {  	v47 =	vbroadcast v22, $0x8;
	vm0 =	vlt.u32 v6, $0x8;
	v6 =	vadd.s32 v1, v6  }
0x68: {  	vm1 =	veq.f32 v7, v46;
	v6 =	vnsel vm0, $0xFFFFFFFF, v6;
	vm0 =	vlt.f32 v7, v46  }
0x69: {  	vm1 =	vmand vm1, vm15;
	v7 =	vbroadcast v46, $0x2;
	vm15 =	vcmask $0x3F38  }
0x6a: {  	vm0 =	vmor vm0, vm1;
	vm1 =	vlt.f32 v48, v46;
	v48 =	vbroadcast v22, $0x9  }
0x6b: {  	v49 =	vsel vm0, $0x1, v4;
	vm0 =	vmor vm1, vm2;
	vm1 =	veq.f32 v7, v46  }
0x6c: {  	vm2 =	vlt.f32 v7, v46;
	v7 =	vbroadcast v46, $0x3;
	vm1 =	vmand vm1, vm5  }
0x6d: {  	v6 =	vcvt.s32.f32 v6;
	v50 =	vsel vm0, $0x1, v4;
	vm0 =	vmor vm2, vm1  }
0x6e: {  	vm1 =	veq.f32 v7, v46;
	vm2 =	veq.f32 v51, v46;
	v52 =	vsel vm0, $0x1, v4  }
0x6f: {  	vm0 =	vlt.f32 v7, v46;
	vm1 =	vmand vm1, vm8;
	v7 =	vbroadcast v46, $0x5  }
0x70: {  	vm2 =	vmand vm2, vm6;
	vm0 =	vmor vm0, vm1;
	vm1 =	vlt.f32 v51, v46  }
0x71: {  	v53 =	vsel vm0, $0x1, v4;
	vm0 =	vmor vm1, vm2;
	vm1 =	veq.f32 v7, v46  }
0x72: {  	vm2 =	vlt.f32 v7, v46;
	v7 =	vbroadcast v46, $0x6;
	vm1 =	vmand vm1, vm7  }
0x73: {  	v51 =	vbroadcast v22, $0xF;
	v54 =	vsel vm0, $0x1, v4;
	vm0 =	vmor vm2, vm1  }
0x74: {  	vm1 =	veq.f32 v7, v46;
	vm2 =	veq.f32 v55, v46;
	v56 =	vsel vm0, $0x1, v4  }
0x75: {  	vm0 =	vlt.f32 v7, v46;
	vm1 =	vmand vm1, vm9;
	v7 =	vbroadcast v46, $0x8  }
0x76: {  	vm2 =	vmand vm2, vm12;
	vm0 =	vmor vm0, vm1;
	vm1 =	vlt.f32 v55, v46  }
0x77: {  	v57 =	vsel vm0, $0x1, v4;
	vm0 =	vmor vm1, vm2;
	vm1 =	veq.f32 v7, v46  }
0x78: {  	vm2 =	vlt.f32 v7, v46;
	vm1 =	vmand vm1, vm11;
	v59 =	vsel vm0, $0x1, v4  }
0x79: {  	vm0 =	vmor vm2, vm1;
	vm1 =	veq.f32 v58, v46;
	vm2 =	veq.f32 v60, v46  }
0x7a: {  	v7 =	vsel vm0, $0x1, v4;
	vm0 =	vlt.f32 v58, v46;
	vm1 =	vmand vm1, vm3  }
0x7b: {  	vm2 =	vmand vm2, vm13;
	vm0 =	vmor vm0, vm1;
	vm1 =	vlt.f32 v60, v46  }
0x7c: {  	v62 =	vsel vm0, $0x1, v4;
	vm0 =	vmor vm1, vm2;
	vm1 =	veq.f32 v61, v46  }
0x7d: {  	vm2 =	vlt.f32 v61, v46;
	vm1 =	vmand vm1, vm4;
	v20 =	vsel vm0, $0x1, v4  }
0x7e: {  	vm0 =	vmor vm2, vm1;
	vm1 =	veq.f32 v19, v46;
	vm2 =	veq.f32 v21, v46  }
0x7f: {  	v63 =	vsel vm0, $0x1, v4;
	vm0 =	vlt.f32 v19, v46;
	vm1 =	vmand vm1, vm14  }
0x80: {  	vm2 =	vmand vm2, vm15;
	vm0 =	vmor vm0, vm1;
	vm1 =	vlt.f32 v21, v46  }
0x81: {  	v60 =	vbroadcast v22, $0xE;
	vm15 =	vlt.f32 v36, v22;
	vm1 =	vmor vm1, vm2  }
0x82: {  	vm2 =	vlt.f32 v32, v46;
	v34 =	vsel vm0, $0x1, v4;
	vm0 =	vlt.f32 v33, v46  }
0x83: {  	v23 =	vsel vm1, $0x1, v4;
	v24 =	vsel vm2, $0x1, v4;
	vm1 =	veq.f32 v33, v46  }
0x84: {  	vm2 =	vcmask $0x3F3C;
	v46 =	vbroadcast v22, $0x7;
	v12 =	vadd.s32 v24, v50  }
0x85: {  	vm1 =	vmand vm1, vm2;
	vm2 =	vcmask $0x3F04;
	v50 =	vbroadcast v22, $0xB  }
0x86: {  	v11 =	vadd.s32 v49, v12;
	vm0 =	vmor vm0, vm1;
	vm1 =	vlt.f32 v35, v22  }
0x87: {  	v49 =	vbroadcast v22, $0xA;
	v37 =	vsel vm0, $0x1, v4;
	vm0 =	veq.f32 v35, v22  }
0x88: {  	v11 =	vadd.s32 v52, v11;
	vm0 =	vmand vm0, vm2;
	vm2 =	veq.f32 v36, v22  }
0x89: {  	v11 =	vadd.s32 v53, v11;
	vm2 =	vmand vm2, vm10;
	vm0 =	vmor vm1, vm0  }
0x8a: {  	v11 =	vadd.s32 v54, v11;
	vm1 =	vmor vm15, vm2;
	v40 =	vsel vm0, $0x1, v4  }
0x8b: {  	vm0 =	veq.f32 v38, v22;
	vm2 =	veq.f32 v39, v22;
	vm15 =	vlt.f32 v39, v22  }
0x8c: {  	v8 =	vadd.s32 v56, v11;
	v41 =	vsel vm1, $0x1, v4;
	vm1 =	vlt.f32 v38, v22  }
0x8d: {  	vm0 =	vmand vm0, vm5;
	vm2 =	vmand vm2, vm8;
	v8 =	vadd.s32 v57, v8  }
0x8e: {  	vm0 =	vmor vm1, vm0;
	vm1 =	vmor vm15, vm2;
	vm2 =	veq.f32 v43, v22  }
0x8f: {  	vm15 =	vlt.f32 v43, v22;
	v8 =	vadd.s32 v59, v8;
	v44 =	vsel vm0, $0x1, v4  }
0x90: {  	v25 =	vsel vm1, $0x1, v4;
	vm0 =	veq.f32 v42, v22;
	vm1 =	vlt.f32 v42, v22  }
0x91: {  	vm2 =	vmand vm2, vm7;
	v7 =	vadd.s32 v7, v8;
	vm0 =	vmand vm0, vm6  }
0x92: {  	v7 =	vadd.s32 v62, v7;
	vm0 =	vmor vm1, vm0;
	vm1 =	vmor vm15, vm2  }
0x93: {  	vm2 =	veq.f32 v46, v22;
	v26 =	vsel vm0, $0x1, v4;
	vm0 =	veq.f32 v45, v22  }
0x94: {  	v27 =	vsel vm1, $0x1, v4;
	vm1 =	vlt.f32 v45, v22;
	vm0 =	vmand vm0, vm9  }
0x95: {  	vm15 =	vlt.f32 v46, v22;
	vm2 =	vmand vm2, vm12;
	vm0 =	vmor vm1, vm0  }
0x96: {  	vm1 =	vmor vm15, vm2;
	vm2 =	veq.f32 v48, v22;
	vm15 =	vlt.f32 v48, v22  }
0x97: {  	v28 =	vsel vm0, $0x1, v4;
	v29 =	vsel vm1, $0x1, v4;
	vm0 =	veq.f32 v47, v22  }
0x98: {  	vm1 =	vlt.f32 v47, v22;
	vm2 =	vmand vm2, vm3;
	vm0 =	vmand vm0, vm11  }
0x99: {  	vm0 =	vmor vm1, vm0;
	vm1 =	vmor vm15, vm2;
	vm2 =	veq.f32 v49, v22  }
0x9a: {  	vm15 =	vlt.f32 v49, v22;
	v52 =	vsel vm0, $0x1, v4;
	vm0 =	vmand vm2, vm13  }
0x9b: {  	v7 =	vadd.s32 v20, v7;
	vm0 =	vmor vm15, vm0;
	vm15 =	vlt.f32 v51, v22  }
0x9c: {  	v54 =	vbroadcast v22, $0xC;
	v7 =	vadd.s32 v63, v7;
	v16 =	vsel vm15, $0x1, v4  }
0x9d: {  	v56 =	vbroadcast v22, $0xD;
	v7 =	vadd.s32 v34, v7;
	v53 =	vadd.s32 v16, v41  }
0x9e: {  	vm3 =	vcmask $0x3F38;
	vm2 =	veq.f32 v50, v22;
	v11 =	vadd.s32 v40, v53  }
0x9f: {  	v55 =	vsel vm1, $0x1, v4;
	vm1 =	veq.f32 v54, v22;
	v11 =	vadd.s32 v44, v11  }
0xa0: {  	vm2 =	vmand vm2, vm4;
	vm1 =	vmand vm1, vm14;
	v11 =	vadd.s32 v25, v11  }
0xa1: {  	vm15 =	vlt.f32 v50, v22;
	v57 =	vsel vm0, $0x1, v4;
	v11 =	vadd.s32 v26, v11  }
0xa2: {  	vm0 =	vlt.f32 v54, v22;
	vm2 =	vmor vm15, vm2;
	v59 =	vadd.s32 v27, v11  }
0xa3: {  	vm0 =	vmor vm0, vm1;
	vm1 =	veq.f32 v56, v22;
	v8 =	vadd.s32 v28, v59  }
0xa4: {  	v58 =	vsel vm2, $0x1, v4;
	vm2 =	vlt.f32 v56, v22;
	v8 =	vadd.s32 v29, v8  }
0xa5: {  	vm1 =	vmand vm1, vm3;
	v61 =	vsel vm0, $0x1, v4;
	v8 =	vadd.s32 v52, v8  }
0xa6: {  	vm0 =	veq.f32 v60, v22;
	vm1 =	vmor vm2, vm1;
	v8 =	vadd.s32 v55, v8  }
0xa7: {  	vm2 =	vcmask $0x3F3C;
	v62 =	vsel vm1, $0x1, v4;
	v8 =	vadd.s32 v57, v8  }
0xa8: {  	vm1 =	vlt.f32 v60, v22;
	vm0 =	vmand vm0, vm2;
	v8 =	vadd.s32 v58, v8  }
0xa9: {  	v7 =	vadd.s32 v23, v7;
	vm0 =	vmor vm1, vm0;
	v8 =	vadd.s32 v61, v8  }
0xaa: {  	v7 =	vadd.s32 v37, v7;
	v63 =	vsel vm0, $0x1, v4;
	v8 =	vadd.s32 v62, v8  }
0xab: {  	vm0 =	vlt.u32 v7, $0x8;
	v7 =	vadd.s32 v2, v7;
	v8 =	vadd.s32 v63, v8  }
0xac: {  	v7 =	vnsel vm0, $0xFFFFFFFF, v7;
	vm0 =	vlt.u32 v8, $0x8;
	v8 =	vadd.s32 v3, v8  }
0xad: {  	[tilespmem:$0x80] =	vst v5;
	v5 =	vcvt.s32.f32 v7;
	v8 =	vnsel vm0, $0xFFFFFFFF, v8  }
0xae: {  	[tilespmem:$0x90] =	vst v6;
	v6 =	vcvt.s32.f32 v8  }
0xaf: {  	p0 =	sne.s32 s5, $0x1;
	[tilespmem:$0xA0] =	vst v5  }
.Ltmp0:
0xb0: {  	[tilespmem:$0xB0] =	vst v6;
	(pc) =	sbr.rel @p0 .LBB2_1-.Ltmp0, $4  }
0xb1: {  	[hbm4b:s4+s2] =	stream.linear.scatter [tilespmem:s7], [sflag:$0x2], $0x40, $0x38;
	[tilespmem:$0x100] =	vst v63  }
0xb2: {  	_ =	swait.ge [sflag:s8], $0x40  }
0xb3: {  	[sflag:s8] =	ssyncset.done $0x0  }
0xb4: {  	s5 =	sadd.s32 $0xFFFFFFFF, s5;
	[sflag:s8] =	ssyncadd.s32 $0xFFFFFFC0  }
0xb5: {  	_ =	sfence.sel $0x180000  }
0xb6: {  	[bflag:$0x0] =	sbarrier.arrive $0xFFFF  }
0xb7: {  	p0 =	sne.s32 s0, $0x0;
	_ =	strace $0x90000047  }
0xb8: {  	s0 =	sadd.s32 @!p0 $0x100000, s1;
	[bflag:$0x2] =	sbarrier.arrive $0xFFFF  }
0xb9: {  	[sflag:s0] =	ssyncadd.tile.s32 @!p0 $0x1;
	_ =	shalt  }
.Lfunc_end2:
_tile_overlayer_lowered:
.L_overlay_start_2:
0xba: {  	(tag) =	ssettag $0x2  }
0xbb: {  	s0 =	rddreg [dreg:$0x0];
	s2 =	stileid.u32  }
0xbc: {  	s1 =	rddreg [dreg:$0x1];
	p0 =	sne.s32 s2, $0x0  }
0xbd: {  	s3 =	rddreg [dreg:$0x2];
	[bflag:$0x3] =	sbarrier.arrive $0xFFFF;
	s2 =	simm.s32 @!p0 $0x1C03  }
0xbe: {  	[timem:s3], [sflag:s2] =	dma.local @!p0 [hbm:s0], s1  }
0xbf: {  	s0 =	simm.s32 @!p0 $0x3  }
0xc0: {  	_ =	swait.ge @!p0 [sflag:s0], s1  }
0xc1: {  	s1 =	ssub.s32 @!p0 $0x0, s1;
	[sflag:s0] =	ssyncset.done @!p0 $0x0  }
0xc2: {  	[sflag:s0] =	ssyncadd.s32 @!p0 s1  }
0xc3: {  	[bflag:$0x3] =	sbarrier.arrive $0xFFFF  }
0xc4: {  	_ =	shalt  }

</sc_bundles>
